<compile_context>
chip_gen: v7x
topology: tpu7x:2x2x1
jax: 0.10.2.dev20260603
libtpu: 0.0.44.dev20260713+nightly
codegen_flags: <defaults>
</compile_context>

<pallas_src>
import functools

import jax
import jax.numpy as jnp
from jax import lax
from jax.experimental import pallas as pl
from jax.experimental.pallas import tpu as pltpu
from jax.experimental.pallas import tpu_sc as plsc

N_TOKENS = 16384
D_MODEL = 4096
NUM_EXPERTS = 64
TOP_K = 8

_NC = 2
_NS = 16
_NW = _NC * _NS
_L = 16

def _mm_body(x_ref, w_ref, o_ref):
    o_ref[...] = jnp.dot(x_ref[...], w_ref[...],
                         preferred_element_type=jnp.float32)


def _matmul(inputs, w_gate, bm=512):
    n, d = inputs.shape
    e = w_gate.shape[1]
    return pl.pallas_call(
        _mm_body,
        grid=(n // bm,),
        in_specs=[
            pl.BlockSpec((bm, d), lambda i: (i, 0)),
            pl.BlockSpec(memory_space=pltpu.VMEM),
        ],
        out_specs=pl.BlockSpec((bm, e), lambda i: (i, 0)),
        out_shape=jax.ShapeDtypeStruct((n, e), jnp.float32),
    )(inputs, w_gate)


_GATHER_DNUMS = lax.GatherDimensionNumbers(
    offset_dims=(), collapsed_slice_dims=(0,), start_index_map=(0,))


def _lane_bcast(x, i):
    idx = jnp.full((_L, 1), i, jnp.int32)
    return lax.gather(x, idx, _GATHER_DNUMS, (1,),
                      mode=lax.GatherScatterMode.PROMISE_IN_BOUNDS)


_NQ = 2


def _route_body(rw_hbm, out_hbm, rw_v, out_v, sems, *, rows_per_w):
    wid = lax.axis_index("s") * _NC + lax.axis_index("c")
    base = wid * rows_per_w
    q = rows_per_w // _NQ

    lane = lax.iota(jnp.int32, _L)
    lo8 = lane < 8

    def sort_desc(k, v):
        r = plsc.sort_key_val(k, v, descending=True)
        return r[0], r[1]

    def merge_desc(a, b):
        ck = jnp.where(lo8, a[0], lax.rev(b[0], (0,)))
        cv = jnp.where(lo8, a[1], lax.rev(b[1], (0,)))
        return sort_desc(ck, cv)

    idx = [lane + 16 * j for j in range(4)]
    zeros = jnp.zeros((_L,), jnp.float32)
    ones = jnp.ones((_L,), jnp.float32)

    def compute_q(s):
        @plsc.parallel_loop(0, q, unroll=4)
        def row(r):
            v0 = rw_v[s, r, pl.ds(0, _L)]
            v1 = rw_v[s, r, pl.ds(16, _L)]
            v2 = rw_v[s, r, pl.ds(32, _L)]
            v3 = rw_v[s, r, pl.ds(48, _L)]
            m01 = merge_desc(sort_desc(v0, idx[0]), sort_desc(v1, idx[1]))
            m23 = merge_desc(sort_desc(v2, idx[2]), sort_desc(v3, idx[3]))
            mk, mi = merge_desc(m01, m23)
            rowmax = _lane_bcast(mk, 0)
            em = jnp.where(lo8, jnp.exp(mk - rowmax), 0.0)
            den = jnp.broadcast_to(jnp.sum(em), (_L,))
            g = em * (ones / den)
            out_v[s, r, pl.ds(0, _L)] = zeros
            out_v[s, r, pl.ds(16, _L)] = zeros
            out_v[s, r, pl.ds(32, _L)] = zeros
            out_v[s, r, pl.ds(48, _L)] = zeros
            rr = jnp.broadcast_to(r, (_L,)).astype(jnp.int32)
            plsc.store_scatter(out_v.at[s], [rr, mi], g, mask=lo8)

    def in_copy(h):
        return pltpu.async_copy(
            rw_hbm.at[pl.ds(base + h * q, q)], rw_v.at[h % 2],
            sems.at[h % 2])

    def out_copy(h):
        return pltpu.async_copy(
            out_v.at[h % 2], out_hbm.at[pl.ds(base + h * q, q)],
            sems.at[2 + h % 2])

    in_copies = [in_copy(0), in_copy(1)]
    out_copies = []
    for h in range(_NQ):
        in_copies[h].wait()
        if h >= 2:
            out_copies[h - 2].wait()
        compute_q(h % 2)
        out_copies.append(out_copy(h))
        if h + 2 < _NQ:
            in_copies.append(in_copy(h + 2))
    for c in out_copies[-2:]:
        c.wait()


@functools.lru_cache(maxsize=None)
def _make_route(n_rows):
    rows_per_w = n_rows // _NW
    return pl.kernel(
        functools.partial(_route_body, rows_per_w=rows_per_w),
        out_type=jax.ShapeDtypeStruct((n_rows, NUM_EXPERTS), jnp.float32),
        mesh=plsc.VectorSubcoreMesh(core_axis_name="c", subcore_axis_name="s"),
        scratch_types=[
            pltpu.VMEM((2, rows_per_w // _NQ, NUM_EXPERTS), jnp.float32),
            pltpu.VMEM((2, rows_per_w // _NQ, NUM_EXPERTS), jnp.float32),
            pltpu.SemaphoreType.DMA((4,)),
        ],
        compiler_params=pltpu.CompilerParams(needs_layout_passes=False),
    )


@jax.jit
def kernel(inputs, w_gate):
    rw = _matmul(inputs, w_gate)
    return _make_route(inputs.shape[0])(rw)

# --- scband reference (transcript-rebuilt; emitter-appended) ---
"""Pipeline reference for scband-routing-layer-43731357008031 (READ-ONLY COPY).

The authoritative reference and input builder live on the scoring server;
editing this copy changes nothing except your own understanding.
"""

import jax, jax.numpy as jnp
import numpy as np

NUM_EXPERTS = 64
TOP_K = 8
N_TOKENS = 16384
D_MODEL = 4096


def setup_inputs(seed: int = 0) -> dict:
    key = jax.random.key(seed)
    k1, k2 = jax.random.split(key)
    inputs = jax.random.normal(k1, (N_TOKENS, D_MODEL), dtype=jnp.float32)
    # learned gating weight (module initializes to zeros; randomize for a meaningful benchmark)
    w_gate = jax.random.normal(k2, (D_MODEL, NUM_EXPERTS), dtype=jnp.float32) * 0.02
    return {"inputs": inputs, "w_gate": w_gate}


def reference(inputs, w_gate):
    # routing_pooling == 'flatten' on a 2D input is identity
    pooled = inputs.reshape(inputs.shape[0], -1)
    routing_weights = pooled @ w_gate
    # softmax_top_k branch: top_k(k+1) then slice first k, softmax, scatter back
    kk = min(TOP_K + 1, NUM_EXPERTS)
    top_values, top_indices = jax.lax.top_k(routing_weights, kk)
    top_k_values = top_values[:, :TOP_K]
    top_k_indices = top_indices[:, :TOP_K]
    top_k_gates = jax.nn.softmax(top_k_values, axis=-1)
    # rowwise_unsorted_segment_sum: scatter gates into [N, num_experts]
    rows = jnp.arange(routing_weights.shape[0])[:, None]
    out = jnp.zeros_like(routing_weights).at[rows, top_k_indices].add(top_k_gates)
    return out

if __name__ == "__main__":
    import jax
    _d = setup_inputs()
    print(jax.jit(kernel)(*tuple(_d.values())))

</pallas_src>

<mosaic_0001>
#map = affine_map<(d0, d1) -> (0, 0)>
module attributes {stable_mosaic.version = 14 : i64} {
  func.func @_route_body(%arg0: i32, %arg1: i32, %arg2: memref<16384x64xf32, #tpu.memory_space<hbm>>, %arg3: memref<16384x64xf32, #tpu.memory_space<hbm>>, %arg4: memref<2x256x64xf32, #tpu.memory_space<vmem>>, %arg5: memref<2x256x64xf32, #tpu.memory_space<vmem>>, %arg6: memref<4x!tpu.dma_semaphore, #tpu.memory_space<semaphore_mem>>) attributes {dimension_semantics = [#tpu.dimension_semantics<core_parallel>, #tpu.dimension_semantics<subcore_parallel>], iteration_bounds = array<i64: 2, 16>, scalar_prefetch = 0 : i64, scratch_operands = 3 : i64, tpu.core_type = #tpu.core_type<sc_vector_subcore>, window_params = [{transform_indices = #map}, {transform_indices = #map}]} {
    %mul3A = arith.constant 2 : i32
    %mul3A_0 = arith.muli %arg1, %mul3A : i32
    %add3A = arith.addi %mul3A_0, %arg0 : i32
    %mul3A_1 = arith.constant 512 : i32
    %mul3A_2 = arith.muli %add3A, %mul3A_1 : i32
    %iota3A = tpu.iota {dimensions = array<i32: 0>} : vector<16xi32>
    %lt3A = arith.constant 8 : i32
    %lt3A_3 = vector.broadcast %lt3A : i32 to vector<16xi32>
    %lt3A_4 = arith.cmpi slt, %iota3A, %lt3A_3 : vector<16xi32>
    %add3A_5 = arith.constant 0 : i32
    %add3A_6 = vector.broadcast %add3A_5 : i32 to vector<16xi32>
    %add3A_7 = arith.addi %iota3A, %add3A_6 : vector<16xi32>
    %add3A_8 = arith.constant 16 : i32
    %add3A_9 = vector.broadcast %add3A_8 : i32 to vector<16xi32>
    %add3A_10 = arith.addi %iota3A, %add3A_9 : vector<16xi32>
    %add3A_11 = arith.constant 32 : i32
    %add3A_12 = vector.broadcast %add3A_11 : i32 to vector<16xi32>
    %add3A_13 = arith.addi %iota3A, %add3A_12 : vector<16xi32>
    %add3A_14 = arith.constant 48 : i32
    %add3A_15 = vector.broadcast %add3A_14 : i32 to vector<16xi32>
    %add3A_16 = arith.addi %iota3A, %add3A_15 : vector<16xi32>
    %broadcast_in_dim3A = arith.constant 0.000000e+00 : f32
    %broadcast_in_dim3A_17 = vector.broadcast %broadcast_in_dim3A : f32 to vector<16xf32>
    %broadcast_in_dim3A_18 = arith.constant 1.000000e+00 : f32
    %broadcast_in_dim3A_19 = vector.broadcast %broadcast_in_dim3A_18 : f32 to vector<16xf32>
    %add3A_20 = arith.constant 0 : i32
    %add3A_21 = arith.addi %mul3A_2, %add3A_20 : i32
    %dma_start3A = arith.constant 0 : i32
    %dma_start3A_22 = arith.constant 0 : i32
    %dma_start3A_23 = arith.constant 0 : i32
    %dma_start3A_24 = arith.constant 0 : i32
    %dma_start3A_25 = tpu.memref_slice %arg4[%dma_start3A, %dma_start3A_23, %dma_start3A_24] : memref<2x256x64xf32, #tpu.memory_space<vmem>> -> memref<1x256x64xf32, #tpu.memory_space<vmem>>
    %dma_start3A_26 = tpu.memref_squeeze %dma_start3A_25 : memref<1x256x64xf32, #tpu.memory_space<vmem>> -> memref<256x64xf32, #tpu.memory_space<vmem>>
    %dma_start3A_27 = arith.constant 0 : i32
    %dma_start3A_28 = tpu.memref_slice %arg2[%add3A_21, %dma_start3A_27] : memref<16384x64xf32, #tpu.memory_space<hbm>> -> memref<256x64xf32, #tpu.memory_space<hbm>>
    %dma_start3A_29 = tpu.memref_slice %arg6[%dma_start3A_22] : memref<4x!tpu.dma_semaphore, #tpu.memory_space<semaphore_mem>> -> memref<1x!tpu.dma_semaphore, #tpu.memory_space<semaphore_mem>>
    %dma_start3A_30 = tpu.memref_squeeze %dma_start3A_29 : memref<1x!tpu.dma_semaphore, #tpu.memory_space<semaphore_mem>> -> memref<!tpu.dma_semaphore, #tpu.memory_space<semaphore_mem>>
    %dma_start3A_31 = arith.constant 0 : i32
    %dma_start3A_32 = arith.constant 0 : i32
    %dma_start3A_33 = tpu.memref_slice %arg4[%dma_start3A, %dma_start3A_31, %dma_start3A_32] : memref<2x256x64xf32, #tpu.memory_space<vmem>> -> memref<1x256x64xf32, #tpu.memory_space<vmem>>
    %dma_start3A_34 = tpu.memref_squeeze %dma_start3A_33 : memref<1x256x64xf32, #tpu.memory_space<vmem>> -> memref<256x64xf32, #tpu.memory_space<vmem>>
    %dma_start3A_35 = arith.constant 0 : i32
    %dma_start3A_36 = tpu.memref_slice %arg2[%add3A_21, %dma_start3A_35] : memref<16384x64xf32, #tpu.memory_space<hbm>> -> memref<256x64xf32, #tpu.memory_space<hbm>>
    tpu.enqueue_dma source(%dma_start3A_36 : memref<256x64xf32, #tpu.memory_space<hbm>>) target(%dma_start3A_34 : memref<256x64xf32, #tpu.memory_space<vmem>>) target_semaphore(%dma_start3A_30 : memref<!tpu.dma_semaphore, #tpu.memory_space<semaphore_mem>>)
    %add3A_37 = arith.constant 256 : i32
    %add3A_38 = arith.addi %mul3A_2, %add3A_37 : i32
    %dma_start3A_39 = arith.constant 1 : i32
    %dma_start3A_40 = arith.constant 1 : i32
    %dma_start3A_41 = arith.constant 0 : i32
    %dma_start3A_42 = arith.constant 0 : i32
    %dma_start3A_43 = tpu.memref_slice %arg4[%dma_start3A_39, %dma_start3A_41, %dma_start3A_42] : memref<2x256x64xf32, #tpu.memory_space<vmem>> -> memref<1x256x64xf32, #tpu.memory_space<vmem>>
    %dma_start3A_44 = tpu.memref_squeeze %dma_start3A_43 : memref<1x256x64xf32, #tpu.memory_space<vmem>> -> memref<256x64xf32, #tpu.memory_space<vmem>>
    %dma_start3A_45 = arith.constant 0 : i32
    %dma_start3A_46 = tpu.memref_slice %arg2[%add3A_38, %dma_start3A_45] : memref<16384x64xf32, #tpu.memory_space<hbm>> -> memref<256x64xf32, #tpu.memory_space<hbm>>
    %dma_start3A_47 = tpu.memref_slice %arg6[%dma_start3A_40] : memref<4x!tpu.dma_semaphore, #tpu.memory_space<semaphore_mem>> -> memref<1x!tpu.dma_semaphore, #tpu.memory_space<semaphore_mem>>
    %dma_start3A_48 = tpu.memref_squeeze %dma_start3A_47 : memref<1x!tpu.dma_semaphore, #tpu.memory_space<semaphore_mem>> -> memref<!tpu.dma_semaphore, #tpu.memory_space<semaphore_mem>>
    %dma_start3A_49 = arith.constant 0 : i32
    %dma_start3A_50 = arith.constant 0 : i32
    %dma_start3A_51 = tpu.memref_slice %arg4[%dma_start3A_39, %dma_start3A_49, %dma_start3A_50] : memref<2x256x64xf32, #tpu.memory_space<vmem>> -> memref<1x256x64xf32, #tpu.memory_space<vmem>>
    %dma_start3A_52 = tpu.memref_squeeze %dma_start3A_51 : memref<1x256x64xf32, #tpu.memory_space<vmem>> -> memref<256x64xf32, #tpu.memory_space<vmem>>
    %dma_start3A_53 = arith.constant 0 : i32
    %dma_start3A_54 = tpu.memref_slice %arg2[%add3A_38, %dma_start3A_53] : memref<16384x64xf32, #tpu.memory_space<hbm>> -> memref<256x64xf32, #tpu.memory_space<hbm>>
    tpu.enqueue_dma source(%dma_start3A_54 : memref<256x64xf32, #tpu.memory_space<hbm>>) target(%dma_start3A_52 : memref<256x64xf32, #tpu.memory_space<vmem>>) target_semaphore(%dma_start3A_48 : memref<!tpu.dma_semaphore, #tpu.memory_space<semaphore_mem>>)
    %dma_wait3A = arith.constant 0 : i32
    %dma_wait3A_55 = arith.constant 0 : i32
    %dma_wait3A_56 = arith.constant 0 : i32
    %dma_wait3A_57 = arith.constant 0 : i32
    %dma_wait3A_58 = tpu.memref_slice %arg4[%dma_wait3A, %dma_wait3A_56, %dma_wait3A_57] : memref<2x256x64xf32, #tpu.memory_space<vmem>> -> memref<1x256x64xf32, #tpu.memory_space<vmem>>
    %dma_wait3A_59 = tpu.memref_squeeze %dma_wait3A_58 : memref<1x256x64xf32, #tpu.memory_space<vmem>> -> memref<256x64xf32, #tpu.memory_space<vmem>>
    %dma_wait3A_60 = arith.constant 0 : i32
    %dma_wait3A_61 = tpu.memref_slice %arg2[%add3A_21, %dma_wait3A_60] : memref<16384x64xf32, #tpu.memory_space<hbm>> -> memref<256x64xf32, #tpu.memory_space<hbm>>
    %dma_wait3A_62 = tpu.memref_slice %arg6[%dma_wait3A_55] : memref<4x!tpu.dma_semaphore, #tpu.memory_space<semaphore_mem>> -> memref<1x!tpu.dma_semaphore, #tpu.memory_space<semaphore_mem>>
    %dma_wait3A_63 = tpu.memref_squeeze %dma_wait3A_62 : memref<1x!tpu.dma_semaphore, #tpu.memory_space<semaphore_mem>> -> memref<!tpu.dma_semaphore, #tpu.memory_space<semaphore_mem>>
    %dma_wait3A_64 = arith.constant 0 : i32
    %dma_wait3A_65 = arith.constant 0 : i32
    %dma_wait3A_66 = tpu.memref_slice %arg4[%dma_wait3A, %dma_wait3A_64, %dma_wait3A_65] : memref<2x256x64xf32, #tpu.memory_space<vmem>> -> memref<1x256x64xf32, #tpu.memory_space<vmem>>
    %dma_wait3A_67 = tpu.memref_squeeze %dma_wait3A_66 : memref<1x256x64xf32, #tpu.memory_space<vmem>> -> memref<256x64xf32, #tpu.memory_space<vmem>>
    %dma_wait3A_68 = arith.constant 0 : i32
    %dma_wait3A_69 = tpu.memref_slice %arg2[%add3A_21, %dma_wait3A_68] : memref<16384x64xf32, #tpu.memory_space<hbm>> -> memref<256x64xf32, #tpu.memory_space<hbm>>
    tpu.wait_dma2 semaphore(%dma_wait3A_63 : memref<!tpu.dma_semaphore, #tpu.memory_space<semaphore_mem>>) src(%dma_wait3A_69 : memref<256x64xf32, #tpu.memory_space<hbm>>) dst(%dma_wait3A_67 : memref<256x64xf32, #tpu.memory_space<vmem>>)
    %parallel_loop3A = arith.constant 0 : i32
    %parallel_loop3A_70 = arith.constant 256 : i32
    %parallel_loop3A_71 = arith.constant 1 : i32
    scf.for %parallel_loop3A_159 = %parallel_loop3A to %parallel_loop3A_70 step %parallel_loop3A_71  : i32 {
      %parallel_loop3A_160 = arith.constant 0 : i32
      %parallel_loop3A_161 = arith.index_cast %parallel_loop3A_160 : i32 to index
      %parallel_loop3A_162 = arith.index_cast %parallel_loop3A_159 : i32 to index
      %parallel_loop3A_163 = arith.constant 0 : index
      %parallel_loop3A_164 = tpu.vector_load %arg4[%parallel_loop3A_161, %parallel_loop3A_162, %parallel_loop3A_163] {strides = array<i32>} : memref<2x256x64xf32, #tpu.memory_space<vmem>>, vector<16xf32>,
      %parallel_loop3A_165 = arith.constant 0 : i32
      %parallel_loop3A_166 = arith.index_cast %parallel_loop3A_165 : i32 to index
      %parallel_loop3A_167 = arith.index_cast %parallel_loop3A_159 : i32 to index
      %parallel_loop3A_168 = arith.constant 16 : index
      %parallel_loop3A_169 = tpu.vector_load %arg4[%parallel_loop3A_166, %parallel_loop3A_167, %parallel_loop3A_168] {strides = array<i32>} : memref<2x256x64xf32, #tpu.memory_space<vmem>>, vector<16xf32>,
      %parallel_loop3A_170 = arith.constant 0 : i32
      %parallel_loop3A_171 = arith.index_cast %parallel_loop3A_170 : i32 to index
      %parallel_loop3A_172 = arith.index_cast %parallel_loop3A_159 : i32 to index
      %parallel_loop3A_173 = arith.constant 32 : index
      %parallel_loop3A_174 = tpu.vector_load %arg4[%parallel_loop3A_171, %parallel_loop3A_172, %parallel_loop3A_173] {strides = array<i32>} : memref<2x256x64xf32, #tpu.memory_space<vmem>>, vector<16xf32>,
      %parallel_loop3A_175 = arith.constant 0 : i32
      %parallel_loop3A_176 = arith.index_cast %parallel_loop3A_175 : i32 to index
      %parallel_loop3A_177 = arith.index_cast %parallel_loop3A_159 : i32 to index
      %parallel_loop3A_178 = arith.constant 48 : index
      %parallel_loop3A_179 = tpu.vector_load %arg4[%parallel_loop3A_176, %parallel_loop3A_177, %parallel_loop3A_178] {strides = array<i32>} : memref<2x256x64xf32, #tpu.memory_space<vmem>>, vector<16xf32>,
      %parallel_loop3A_180 = arith.constant dense<true> : vector<16xi1>
      %parallel_loop3A_181, %parallel_loop3A_182, %parallel_loop3A_183 = tpu.sort %parallel_loop3A_164, %add3A_7 masked %parallel_loop3A_180 {descending = true} : (vector<16xf32>, vector<16xi32>, vector<16xi1>) -> (vector<16xi1>, vector<16xf32>, vector<16xi32>)
      %parallel_loop3A_184 = arith.constant dense<true> : vector<16xi1>
      %parallel_loop3A_185, %parallel_loop3A_186, %parallel_loop3A_187 = tpu.sort %parallel_loop3A_169, %add3A_10 masked %parallel_loop3A_184 {descending = true} : (vector<16xf32>, vector<16xi32>, vector<16xi1>) -> (vector<16xi1>, vector<16xf32>, vector<16xi32>)
      %parallel_loop3A_188 = arith.constant 15 : i32
      %parallel_loop3A_189 = vector.broadcast %parallel_loop3A_188 : i32 to vector<16xi32>
      %parallel_loop3A_190 = tpu.iota {dimensions = array<i32: 0>} : vector<16xi32>
      %parallel_loop3A_191 = arith.subi %parallel_loop3A_189, %parallel_loop3A_190 : vector<16xi32>
      %parallel_loop3A_192 = tpu.dynamic_gather %parallel_loop3A_186[%parallel_loop3A_191] in [0] : vector<16xf32>, vector<16xi32> -> vector<16xf32>
      %parallel_loop3A_193 = arith.select %lt3A_4, %parallel_loop3A_182, %parallel_loop3A_192 : vector<16xi1>, vector<16xf32>
      %parallel_loop3A_194 = arith.constant 15 : i32
      %parallel_loop3A_195 = vector.broadcast %parallel_loop3A_194 : i32 to vector<16xi32>
      %parallel_loop3A_196 = tpu.iota {dimensions = array<i32: 0>} : vector<16xi32>
      %parallel_loop3A_197 = arith.subi %parallel_loop3A_195, %parallel_loop3A_196 : vector<16xi32>
      %parallel_loop3A_198 = tpu.dynamic_gather %parallel_loop3A_187[%parallel_loop3A_197] in [0] : vector<16xi32>, vector<16xi32> -> vector<16xi32>
      %parallel_loop3A_199 = arith.select %lt3A_4, %parallel_loop3A_183, %parallel_loop3A_198 : vector<16xi1>, vector<16xi32>
      %parallel_loop3A_200 = arith.constant dense<true> : vector<16xi1>
      %parallel_loop3A_201, %parallel_loop3A_202, %parallel_loop3A_203 = tpu.sort %parallel_loop3A_193, %parallel_loop3A_199 masked %parallel_loop3A_200 {descending = true} : (vector<16xf32>, vector<16xi32>, vector<16xi1>) -> (vector<16xi1>, vector<16xf32>, vector<16xi32>)
      %parallel_loop3A_204 = arith.constant dense<true> : vector<16xi1>
      %parallel_loop3A_205, %parallel_loop3A_206, %parallel_loop3A_207 = tpu.sort %parallel_loop3A_174, %add3A_13 masked %parallel_loop3A_204 {descending = true} : (vector<16xf32>, vector<16xi32>, vector<16xi1>) -> (vector<16xi1>, vector<16xf32>, vector<16xi32>)
      %parallel_loop3A_208 = arith.constant dense<true> : vector<16xi1>
      %parallel_loop3A_209, %parallel_loop3A_210, %parallel_loop3A_211 = tpu.sort %parallel_loop3A_179, %add3A_16 masked %parallel_loop3A_208 {descending = true} : (vector<16xf32>, vector<16xi32>, vector<16xi1>) -> (vector<16xi1>, vector<16xf32>, vector<16xi32>)
      %parallel_loop3A_212 = arith.constant 15 : i32
      %parallel_loop3A_213 = vector.broadcast %parallel_loop3A_212 : i32 to vector<16xi32>
      %parallel_loop3A_214 = tpu.iota {dimensions = array<i32: 0>} : vector<16xi32>
      %parallel_loop3A_215 = arith.subi %parallel_loop3A_213, %parallel_loop3A_214 : vector<16xi32>
      %parallel_loop3A_216 = tpu.dynamic_gather %parallel_loop3A_210[%parallel_loop3A_215] in [0] : vector<16xf32>, vector<16xi32> -> vector<16xf32>
      %parallel_loop3A_217 = arith.select %lt3A_4, %parallel_loop3A_206, %parallel_loop3A_216 : vector<16xi1>, vector<16xf32>
      %parallel_loop3A_218 = arith.constant 15 : i32
      %parallel_loop3A_219 = vector.broadcast %parallel_loop3A_218 : i32 to vector<16xi32>
      %parallel_loop3A_220 = tpu.iota {dimensions = array<i32: 0>} : vector<16xi32>
      %parallel_loop3A_221 = arith.subi %parallel_loop3A_219, %parallel_loop3A_220 : vector<16xi32>
      %parallel_loop3A_222 = tpu.dynamic_gather %parallel_loop3A_211[%parallel_loop3A_221] in [0] : vector<16xi32>, vector<16xi32> -> vector<16xi32>
      %parallel_loop3A_223 = arith.select %lt3A_4, %parallel_loop3A_207, %parallel_loop3A_222 : vector<16xi1>, vector<16xi32>
      %parallel_loop3A_224 = arith.constant dense<true> : vector<16xi1>
      %parallel_loop3A_225, %parallel_loop3A_226, %parallel_loop3A_227 = tpu.sort %parallel_loop3A_217, %parallel_loop3A_223 masked %parallel_loop3A_224 {descending = true} : (vector<16xf32>, vector<16xi32>, vector<16xi1>) -> (vector<16xi1>, vector<16xf32>, vector<16xi32>)
      %parallel_loop3A_228 = arith.constant 15 : i32
      %parallel_loop3A_229 = vector.broadcast %parallel_loop3A_228 : i32 to vector<16xi32>
      %parallel_loop3A_230 = tpu.iota {dimensions = array<i32: 0>} : vector<16xi32>
      %parallel_loop3A_231 = arith.subi %parallel_loop3A_229, %parallel_loop3A_230 : vector<16xi32>
      %parallel_loop3A_232 = tpu.dynamic_gather %parallel_loop3A_226[%parallel_loop3A_231] in [0] : vector<16xf32>, vector<16xi32> -> vector<16xf32>
      %parallel_loop3A_233 = arith.select %lt3A_4, %parallel_loop3A_202, %parallel_loop3A_232 : vector<16xi1>, vector<16xf32>
      %parallel_loop3A_234 = arith.constant 15 : i32
      %parallel_loop3A_235 = vector.broadcast %parallel_loop3A_234 : i32 to vector<16xi32>
      %parallel_loop3A_236 = tpu.iota {dimensions = array<i32: 0>} : vector<16xi32>
      %parallel_loop3A_237 = arith.subi %parallel_loop3A_235, %parallel_loop3A_236 : vector<16xi32>
      %parallel_loop3A_238 = tpu.dynamic_gather %parallel_loop3A_227[%parallel_loop3A_237] in [0] : vector<16xi32>, vector<16xi32> -> vector<16xi32>
      %parallel_loop3A_239 = arith.select %lt3A_4, %parallel_loop3A_203, %parallel_loop3A_238 : vector<16xi1>, vector<16xi32>
      %parallel_loop3A_240 = arith.constant dense<true> : vector<16xi1>
      %parallel_loop3A_241, %parallel_loop3A_242, %parallel_loop3A_243 = tpu.sort %parallel_loop3A_233, %parallel_loop3A_239 masked %parallel_loop3A_240 {descending = true} : (vector<16xf32>, vector<16xi32>, vector<16xi1>) -> (vector<16xi1>, vector<16xf32>, vector<16xi32>)
      %parallel_loop3A_244 = arith.constant 0 : i32
      %parallel_loop3A_245 = vector.broadcast %parallel_loop3A_244 : i32 to vector<16x1xi32>
      %parallel_loop3A_246 = vector.shape_cast %parallel_loop3A_245 : vector<16x1xi32> to vector<16xi32>
      %parallel_loop3A_247 = tpu.dynamic_gather %parallel_loop3A_242[%parallel_loop3A_246] in [0] : vector<16xf32>, vector<16xi32> -> vector<16xf32>
      %parallel_loop3A_248 = arith.subf %parallel_loop3A_242, %parallel_loop3A_247 : vector<16xf32>
      %parallel_loop3A_249 = math.exp %parallel_loop3A_248 : vector<16xf32>
      %parallel_loop3A_250 = arith.constant 0.000000e+00 : f32
      %parallel_loop3A_251 = vector.broadcast %parallel_loop3A_250 : f32 to vector<16xf32>
      %parallel_loop3A_252 = arith.select %lt3A_4, %parallel_loop3A_249, %parallel_loop3A_251 : vector<16xi1>, vector<16xf32>
      %parallel_loop3A_253 = arith.constant true
      %parallel_loop3A_254 = vector.broadcast %parallel_loop3A_253 : i1 to vector<16xi1>
      %parallel_loop3A_255 = tpu.scan <sum>, %parallel_loop3A_252 masked %parallel_loop3A_254 : vector<16xf32>, vector<16xi1> -> vector<16xf32>
      %parallel_loop3A_256 = vector.extract %parallel_loop3A_255[15] : f32 from vector<16xf32>
      %parallel_loop3A_257 = vector.broadcast %parallel_loop3A_256 : f32 to vector<16xf32>
      %parallel_loop3A_258 = arith.divf %broadcast_in_dim3A_19, %parallel_loop3A_257 : vector<16xf32>
      %parallel_loop3A_259 = arith.mulf %parallel_loop3A_252, %parallel_loop3A_258 : vector<16xf32>
      %parallel_loop3A_260 = arith.constant 0 : i32
      %parallel_loop3A_261 = arith.index_cast %parallel_loop3A_260 : i32 to index
      %parallel_loop3A_262 = arith.index_cast %parallel_loop3A_159 : i32 to index
      %parallel_loop3A_263 = arith.constant 0 : index
      %parallel_loop3A_264 = tpu.vector_load %arg5[%parallel_loop3A_261, %parallel_loop3A_262, %parallel_loop3A_263] {strides = array<i32>} : memref<2x256x64xf32, #tpu.memory_space<vmem>>, vector<16xf32>,
      tpu.vector_store %arg5[%parallel_loop3A_261, %parallel_loop3A_262, %parallel_loop3A_263], %broadcast_in_dim3A_17 {strides = array<i32>} : memref<2x256x64xf32, #tpu.memory_space<vmem>>, vector<16xf32>,
      %parallel_loop3A_265 = arith.constant 0 : i32
      %parallel_loop3A_266 = arith.index_cast %parallel_loop3A_265 : i32 to index
      %parallel_loop3A_267 = arith.index_cast %parallel_loop3A_159 : i32 to index
      %parallel_loop3A_268 = arith.constant 16 : index
      %parallel_loop3A_269 = tpu.vector_load %arg5[%parallel_loop3A_266, %parallel_loop3A_267, %parallel_loop3A_268] {strides = array<i32>} : memref<2x256x64xf32, #tpu.memory_space<vmem>>, vector<16xf32>,
      tpu.vector_store %arg5[%parallel_loop3A_266, %parallel_loop3A_267, %parallel_loop3A_268], %broadcast_in_dim3A_17 {strides = array<i32>} : memref<2x256x64xf32, #tpu.memory_space<vmem>>, vector<16xf32>,
      %parallel_loop3A_270 = arith.constant 0 : i32
      %parallel_loop3A_271 = arith.index_cast %parallel_loop3A_270 : i32 to index
      %parallel_loop3A_272 = arith.index_cast %parallel_loop3A_159 : i32 to index
      %parallel_loop3A_273 = arith.constant 32 : index
      %parallel_loop3A_274 = tpu.vector_load %arg5[%parallel_loop3A_271, %parallel_loop3A_272, %parallel_loop3A_273] {strides = array<i32>} : memref<2x256x64xf32, #tpu.memory_space<vmem>>, vector<16xf32>,
      tpu.vector_store %arg5[%parallel_loop3A_271, %parallel_loop3A_272, %parallel_loop3A_273], %broadcast_in_dim3A_17 {strides = array<i32>} : memref<2x256x64xf32, #tpu.memory_space<vmem>>, vector<16xf32>,
      %parallel_loop3A_275 = arith.constant 0 : i32
      %parallel_loop3A_276 = arith.index_cast %parallel_loop3A_275 : i32 to index
      %parallel_loop3A_277 = arith.index_cast %parallel_loop3A_159 : i32 to index
      %parallel_loop3A_278 = arith.constant 48 : index
      %parallel_loop3A_279 = tpu.vector_load %arg5[%parallel_loop3A_276, %parallel_loop3A_277, %parallel_loop3A_278] {strides = array<i32>} : memref<2x256x64xf32, #tpu.memory_space<vmem>>, vector<16xf32>,
      tpu.vector_store %arg5[%parallel_loop3A_276, %parallel_loop3A_277, %parallel_loop3A_278], %broadcast_in_dim3A_17 {strides = array<i32>} : memref<2x256x64xf32, #tpu.memory_space<vmem>>, vector<16xf32>,
      %parallel_loop3A_280 = vector.broadcast %parallel_loop3A_159 : i32 to vector<16xi32>
      %parallel_loop3A_281 = arith.constant 0 : i32
      %parallel_loop3A_282 = arith.constant 0 : i32
      %parallel_loop3A_283 = arith.constant 0 : i32
      %parallel_loop3A_284 = tpu.memref_slice %arg5[%parallel_loop3A_281, %parallel_loop3A_282, %parallel_loop3A_283] : memref<2x256x64xf32, #tpu.memory_space<vmem>> -> memref<1x256x64xf32, #tpu.memory_space<vmem>>
      %parallel_loop3A_285 = tpu.memref_squeeze %parallel_loop3A_284 : memref<1x256x64xf32, #tpu.memory_space<vmem>> -> memref<256x64xf32, #tpu.memory_space<vmem>>
      tpu.vector_store_idx %parallel_loop3A_285[%parallel_loop3A_280, %parallel_loop3A_243], %parallel_loop3A_259 masked %lt3A_4 : memref<256x64xf32, #tpu.memory_space<vmem>>[vector<16xi32>, vector<16xi32>], vector<16xf32>, vector<16xi1>
    } {sc.loop_unroll_factor = 4 : i64, sc.parallel_access}
    %add3A_72 = arith.constant 0 : i32
    %add3A_73 = arith.addi %mul3A_2, %add3A_72 : i32
    %dma_start3A_74 = arith.constant 0 : i32
    %dma_start3A_75 = arith.constant 2 : i32
    %dma_start3A_76 = arith.constant 0 : i32
    %dma_start3A_77 = arith.constant 0 : i32
    %dma_start3A_78 = tpu.memref_slice %arg5[%dma_start3A_74, %dma_start3A_76, %dma_start3A_77] : memref<2x256x64xf32, #tpu.memory_space<vmem>> -> memref<1x256x64xf32, #tpu.memory_space<vmem>>
    %dma_start3A_79 = tpu.memref_squeeze %dma_start3A_78 : memref<1x256x64xf32, #tpu.memory_space<vmem>> -> memref<256x64xf32, #tpu.memory_space<vmem>>
    %dma_start3A_80 = arith.constant 0 : i32
    %dma_start3A_81 = tpu.memref_slice %arg3[%add3A_73, %dma_start3A_80] : memref<16384x64xf32, #tpu.memory_space<hbm>> -> memref<256x64xf32, #tpu.memory_space<hbm>>
    %dma_start3A_82 = tpu.memref_slice %arg6[%dma_start3A_75] : memref<4x!tpu.dma_semaphore, #tpu.memory_space<semaphore_mem>> -> memref<1x!tpu.dma_semaphore, #tpu.memory_space<semaphore_mem>>
    %dma_start3A_83 = tpu.memref_squeeze %dma_start3A_82 : memref<1x!tpu.dma_semaphore, #tpu.memory_space<semaphore_mem>> -> memref<!tpu.dma_semaphore, #tpu.memory_space<semaphore_mem>>
    %dma_start3A_84 = arith.constant 0 : i32
    %dma_start3A_85 = tpu.memref_slice %arg3[%add3A_73, %dma_start3A_84] : memref<16384x64xf32, #tpu.memory_space<hbm>> -> memref<256x64xf32, #tpu.memory_space<hbm>>
    %dma_start3A_86 = arith.constant 0 : i32
    %dma_start3A_87 = arith.constant 0 : i32
    %dma_start3A_88 = tpu.memref_slice %arg5[%dma_start3A_74, %dma_start3A_86, %dma_start3A_87] : memref<2x256x64xf32, #tpu.memory_space<vmem>> -> memref<1x256x64xf32, #tpu.memory_space<vmem>>
    %dma_start3A_89 = tpu.memref_squeeze %dma_start3A_88 : memref<1x256x64xf32, #tpu.memory_space<vmem>> -> memref<256x64xf32, #tpu.memory_space<vmem>>
    tpu.enqueue_dma source(%dma_start3A_89 : memref<256x64xf32, #tpu.memory_space<vmem>>) target(%dma_start3A_85 : memref<256x64xf32, #tpu.memory_space<hbm>>) target_semaphore(%dma_start3A_83 : memref<!tpu.dma_semaphore, #tpu.memory_space<semaphore_mem>>)
    %dma_wait3A_90 = arith.constant 1 : i32
    %dma_wait3A_91 = arith.constant 1 : i32
    %dma_wait3A_92 = arith.constant 0 : i32
    %dma_wait3A_93 = arith.constant 0 : i32
    %dma_wait3A_94 = tpu.memref_slice %arg4[%dma_wait3A_90, %dma_wait3A_92, %dma_wait3A_93] : memref<2x256x64xf32, #tpu.memory_space<vmem>> -> memref<1x256x64xf32, #tpu.memory_space<vmem>>
    %dma_wait3A_95 = tpu.memref_squeeze %dma_wait3A_94 : memref<1x256x64xf32, #tpu.memory_space<vmem>> -> memref<256x64xf32, #tpu.memory_space<vmem>>
    %dma_wait3A_96 = arith.constant 0 : i32
    %dma_wait3A_97 = tpu.memref_slice %arg2[%add3A_38, %dma_wait3A_96] : memref<16384x64xf32, #tpu.memory_space<hbm>> -> memref<256x64xf32, #tpu.memory_space<hbm>>
    %dma_wait3A_98 = tpu.memref_slice %arg6[%dma_wait3A_91] : memref<4x!tpu.dma_semaphore, #tpu.memory_space<semaphore_mem>> -> memref<1x!tpu.dma_semaphore, #tpu.memory_space<semaphore_mem>>
    %dma_wait3A_99 = tpu.memref_squeeze %dma_wait3A_98 : memref<1x!tpu.dma_semaphore, #tpu.memory_space<semaphore_mem>> -> memref<!tpu.dma_semaphore, #tpu.memory_space<semaphore_mem>>
    %dma_wait3A_100 = arith.constant 0 : i32
    %dma_wait3A_101 = arith.constant 0 : i32
    %dma_wait3A_102 = tpu.memref_slice %arg4[%dma_wait3A_90, %dma_wait3A_100, %dma_wait3A_101] : memref<2x256x64xf32, #tpu.memory_space<vmem>> -> memref<1x256x64xf32, #tpu.memory_space<vmem>>
    %dma_wait3A_103 = tpu.memref_squeeze %dma_wait3A_102 : memref<1x256x64xf32, #tpu.memory_space<vmem>> -> memref<256x64xf32, #tpu.memory_space<vmem>>
    %dma_wait3A_104 = arith.constant 0 : i32
    %dma_wait3A_105 = tpu.memref_slice %arg2[%add3A_38, %dma_wait3A_104] : memref<16384x64xf32, #tpu.memory_space<hbm>> -> memref<256x64xf32, #tpu.memory_space<hbm>>
    tpu.wait_dma2 semaphore(%dma_wait3A_99 : memref<!tpu.dma_semaphore, #tpu.memory_space<semaphore_mem>>) src(%dma_wait3A_105 : memref<256x64xf32, #tpu.memory_space<hbm>>) dst(%dma_wait3A_103 : memref<256x64xf32, #tpu.memory_space<vmem>>)
    %parallel_loop3A_106 = arith.constant 0 : i32
    %parallel_loop3A_107 = arith.constant 256 : i32
    %parallel_loop3A_108 = arith.constant 1 : i32
    scf.for %parallel_loop3A_159 = %parallel_loop3A_106 to %parallel_loop3A_107 step %parallel_loop3A_108  : i32 {
      %parallel_loop3A_160 = arith.constant 1 : i32
      %parallel_loop3A_161 = arith.index_cast %parallel_loop3A_160 : i32 to index
      %parallel_loop3A_162 = arith.index_cast %parallel_loop3A_159 : i32 to index
      %parallel_loop3A_163 = arith.constant 0 : index
      %parallel_loop3A_164 = tpu.vector_load %arg4[%parallel_loop3A_161, %parallel_loop3A_162, %parallel_loop3A_163] {strides = array<i32>} : memref<2x256x64xf32, #tpu.memory_space<vmem>>, vector<16xf32>,
      %parallel_loop3A_165 = arith.constant 1 : i32
      %parallel_loop3A_166 = arith.index_cast %parallel_loop3A_165 : i32 to index
      %parallel_loop3A_167 = arith.index_cast %parallel_loop3A_159 : i32 to index
      %parallel_loop3A_168 = arith.constant 16 : index
      %parallel_loop3A_169 = tpu.vector_load %arg4[%parallel_loop3A_166, %parallel_loop3A_167, %parallel_loop3A_168] {strides = array<i32>} : memref<2x256x64xf32, #tpu.memory_space<vmem>>, vector<16xf32>,
      %parallel_loop3A_170 = arith.constant 1 : i32
      %parallel_loop3A_171 = arith.index_cast %parallel_loop3A_170 : i32 to index
      %parallel_loop3A_172 = arith.index_cast %parallel_loop3A_159 : i32 to index
      %parallel_loop3A_173 = arith.constant 32 : index
      %parallel_loop3A_174 = tpu.vector_load %arg4[%parallel_loop3A_171, %parallel_loop3A_172, %parallel_loop3A_173] {strides = array<i32>} : memref<2x256x64xf32, #tpu.memory_space<vmem>>, vector<16xf32>,
      %parallel_loop3A_175 = arith.constant 1 : i32
      %parallel_loop3A_176 = arith.index_cast %parallel_loop3A_175 : i32 to index
      %parallel_loop3A_177 = arith.index_cast %parallel_loop3A_159 : i32 to index
      %parallel_loop3A_178 = arith.constant 48 : index
      %parallel_loop3A_179 = tpu.vector_load %arg4[%parallel_loop3A_176, %parallel_loop3A_177, %parallel_loop3A_178] {strides = array<i32>} : memref<2x256x64xf32, #tpu.memory_space<vmem>>, vector<16xf32>,
      %parallel_loop3A_180 = arith.constant dense<true> : vector<16xi1>
      %parallel_loop3A_181, %parallel_loop3A_182, %parallel_loop3A_183 = tpu.sort %parallel_loop3A_164, %add3A_7 masked %parallel_loop3A_180 {descending = true} : (vector<16xf32>, vector<16xi32>, vector<16xi1>) -> (vector<16xi1>, vector<16xf32>, vector<16xi32>)
      %parallel_loop3A_184 = arith.constant dense<true> : vector<16xi1>
      %parallel_loop3A_185, %parallel_loop3A_186, %parallel_loop3A_187 = tpu.sort %parallel_loop3A_169, %add3A_10 masked %parallel_loop3A_184 {descending = true} : (vector<16xf32>, vector<16xi32>, vector<16xi1>) -> (vector<16xi1>, vector<16xf32>, vector<16xi32>)
      %parallel_loop3A_188 = arith.constant 15 : i32
      %parallel_loop3A_189 = vector.broadcast %parallel_loop3A_188 : i32 to vector<16xi32>
      %parallel_loop3A_190 = tpu.iota {dimensions = array<i32: 0>} : vector<16xi32>
      %parallel_loop3A_191 = arith.subi %parallel_loop3A_189, %parallel_loop3A_190 : vector<16xi32>
      %parallel_loop3A_192 = tpu.dynamic_gather %parallel_loop3A_186[%parallel_loop3A_191] in [0] : vector<16xf32>, vector<16xi32> -> vector<16xf32>
      %parallel_loop3A_193 = arith.select %lt3A_4, %parallel_loop3A_182, %parallel_loop3A_192 : vector<16xi1>, vector<16xf32>
      %parallel_loop3A_194 = arith.constant 15 : i32
      %parallel_loop3A_195 = vector.broadcast %parallel_loop3A_194 : i32 to vector<16xi32>
      %parallel_loop3A_196 = tpu.iota {dimensions = array<i32: 0>} : vector<16xi32>
      %parallel_loop3A_197 = arith.subi %parallel_loop3A_195, %parallel_loop3A_196 : vector<16xi32>
      %parallel_loop3A_198 = tpu.dynamic_gather %parallel_loop3A_187[%parallel_loop3A_197] in [0] : vector<16xi32>, vector<16xi32> -> vector<16xi32>
      %parallel_loop3A_199 = arith.select %lt3A_4, %parallel_loop3A_183, %parallel_loop3A_198 : vector<16xi1>, vector<16xi32>
      %parallel_loop3A_200 = arith.constant dense<true> : vector<16xi1>
      %parallel_loop3A_201, %parallel_loop3A_202, %parallel_loop3A_203 = tpu.sort %parallel_loop3A_193, %parallel_loop3A_199 masked %parallel_loop3A_200 {descending = true} : (vector<16xf32>, vector<16xi32>, vector<16xi1>) -> (vector<16xi1>, vector<16xf32>, vector<16xi32>)
      %parallel_loop3A_204 = arith.constant dense<true> : vector<16xi1>
      %parallel_loop3A_205, %parallel_loop3A_206, %parallel_loop3A_207 = tpu.sort %parallel_loop3A_174, %add3A_13 masked %parallel_loop3A_204 {descending = true} : (vector<16xf32>, vector<16xi32>, vector<16xi1>) -> (vector<16xi1>, vector<16xf32>, vector<16xi32>)
      %parallel_loop3A_208 = arith.constant dense<true> : vector<16xi1>
      %parallel_loop3A_209, %parallel_loop3A_210, %parallel_loop3A_211 = tpu.sort %parallel_loop3A_179, %add3A_16 masked %parallel_loop3A_208 {descending = true} : (vector<16xf32>, vector<16xi32>, vector<16xi1>) -> (vector<16xi1>, vector<16xf32>, vector<16xi32>)
      %parallel_loop3A_212 = arith.constant 15 : i32
      %parallel_loop3A_213 = vector.broadcast %parallel_loop3A_212 : i32 to vector<16xi32>
      %parallel_loop3A_214 = tpu.iota {dimensions = array<i32: 0>} : vector<16xi32>
      %parallel_loop3A_215 = arith.subi %parallel_loop3A_213, %parallel_loop3A_214 : vector<16xi32>
      %parallel_loop3A_216 = tpu.dynamic_gather %parallel_loop3A_210[%parallel_loop3A_215] in [0] : vector<16xf32>, vector<16xi32> -> vector<16xf32>
      %parallel_loop3A_217 = arith.select %lt3A_4, %parallel_loop3A_206, %parallel_loop3A_216 : vector<16xi1>, vector<16xf32>
      %parallel_loop3A_218 = arith.constant 15 : i32
      %parallel_loop3A_219 = vector.broadcast %parallel_loop3A_218 : i32 to vector<16xi32>
      %parallel_loop3A_220 = tpu.iota {dimensions = array<i32: 0>} : vector<16xi32>
      %parallel_loop3A_221 = arith.subi %parallel_loop3A_219, %parallel_loop3A_220 : vector<16xi32>
      %parallel_loop3A_222 = tpu.dynamic_gather %parallel_loop3A_211[%parallel_loop3A_221] in [0] : vector<16xi32>, vector<16xi32> -> vector<16xi32>
      %parallel_loop3A_223 = arith.select %lt3A_4, %parallel_loop3A_207, %parallel_loop3A_222 : vector<16xi1>, vector<16xi32>
      %parallel_loop3A_224 = arith.constant dense<true> : vector<16xi1>
      %parallel_loop3A_225, %parallel_loop3A_226, %parallel_loop3A_227 = tpu.sort %parallel_loop3A_217, %parallel_loop3A_223 masked %parallel_loop3A_224 {descending = true} : (vector<16xf32>, vector<16xi32>, vector<16xi1>) -> (vector<16xi1>, vector<16xf32>, vector<16xi32>)
      %parallel_loop3A_228 = arith.constant 15 : i32
      %parallel_loop3A_229 = vector.broadcast %parallel_loop3A_228 : i32 to vector<16xi32>
      %parallel_loop3A_230 = tpu.iota {dimensions = array<i32: 0>} : vector<16xi32>
      %parallel_loop3A_231 = arith.subi %parallel_loop3A_229, %parallel_loop3A_230 : vector<16xi32>
      %parallel_loop3A_232 = tpu.dynamic_gather %parallel_loop3A_226[%parallel_loop3A_231] in [0] : vector<16xf32>, vector<16xi32> -> vector<16xf32>
      %parallel_loop3A_233 = arith.select %lt3A_4, %parallel_loop3A_202, %parallel_loop3A_232 : vector<16xi1>, vector<16xf32>
      %parallel_loop3A_234 = arith.constant 15 : i32
      %parallel_loop3A_235 = vector.broadcast %parallel_loop3A_234 : i32 to vector<16xi32>
      %parallel_loop3A_236 = tpu.iota {dimensions = array<i32: 0>} : vector<16xi32>
      %parallel_loop3A_237 = arith.subi %parallel_loop3A_235, %parallel_loop3A_236 : vector<16xi32>
      %parallel_loop3A_238 = tpu.dynamic_gather %parallel_loop3A_227[%parallel_loop3A_237] in [0] : vector<16xi32>, vector<16xi32> -> vector<16xi32>
      %parallel_loop3A_239 = arith.select %lt3A_4, %parallel_loop3A_203, %parallel_loop3A_238 : vector<16xi1>, vector<16xi32>
      %parallel_loop3A_240 = arith.constant dense<true> : vector<16xi1>
      %parallel_loop3A_241, %parallel_loop3A_242, %parallel_loop3A_243 = tpu.sort %parallel_loop3A_233, %parallel_loop3A_239 masked %parallel_loop3A_240 {descending = true} : (vector<16xf32>, vector<16xi32>, vector<16xi1>) -> (vector<16xi1>, vector<16xf32>, vector<16xi32>)
      %parallel_loop3A_244 = arith.constant 0 : i32
      %parallel_loop3A_245 = vector.broadcast %parallel_loop3A_244 : i32 to vector<16x1xi32>
      %parallel_loop3A_246 = vector.shape_cast %parallel_loop3A_245 : vector<16x1xi32> to vector<16xi32>
      %parallel_loop3A_247 = tpu.dynamic_gather %parallel_loop3A_242[%parallel_loop3A_246] in [0] : vector<16xf32>, vector<16xi32> -> vector<16xf32>
      %parallel_loop3A_248 = arith.subf %parallel_loop3A_242, %parallel_loop3A_247 : vector<16xf32>
      %parallel_loop3A_249 = math.exp %parallel_loop3A_248 : vector<16xf32>
      %parallel_loop3A_250 = arith.constant 0.000000e+00 : f32
      %parallel_loop3A_251 = vector.broadcast %parallel_loop3A_250 : f32 to vector<16xf32>
      %parallel_loop3A_252 = arith.select %lt3A_4, %parallel_loop3A_249, %parallel_loop3A_251 : vector<16xi1>, vector<16xf32>
      %parallel_loop3A_253 = arith.constant true
      %parallel_loop3A_254 = vector.broadcast %parallel_loop3A_253 : i1 to vector<16xi1>
      %parallel_loop3A_255 = tpu.scan <sum>, %parallel_loop3A_252 masked %parallel_loop3A_254 : vector<16xf32>, vector<16xi1> -> vector<16xf32>
      %parallel_loop3A_256 = vector.extract %parallel_loop3A_255[15] : f32 from vector<16xf32>
      %parallel_loop3A_257 = vector.broadcast %parallel_loop3A_256 : f32 to vector<16xf32>
      %parallel_loop3A_258 = arith.divf %broadcast_in_dim3A_19, %parallel_loop3A_257 : vector<16xf32>
      %parallel_loop3A_259 = arith.mulf %parallel_loop3A_252, %parallel_loop3A_258 : vector<16xf32>
      %parallel_loop3A_260 = arith.constant 1 : i32
      %parallel_loop3A_261 = arith.index_cast %parallel_loop3A_260 : i32 to index
      %parallel_loop3A_262 = arith.index_cast %parallel_loop3A_159 : i32 to index
      %parallel_loop3A_263 = arith.constant 0 : index
      %parallel_loop3A_264 = tpu.vector_load %arg5[%parallel_loop3A_261, %parallel_loop3A_262, %parallel_loop3A_263] {strides = array<i32>} : memref<2x256x64xf32, #tpu.memory_space<vmem>>, vector<16xf32>,
      tpu.vector_store %arg5[%parallel_loop3A_261, %parallel_loop3A_262, %parallel_loop3A_263], %broadcast_in_dim3A_17 {strides = array<i32>} : memref<2x256x64xf32, #tpu.memory_space<vmem>>, vector<16xf32>,
      %parallel_loop3A_265 = arith.constant 1 : i32
      %parallel_loop3A_266 = arith.index_cast %parallel_loop3A_265 : i32 to index
      %parallel_loop3A_267 = arith.index_cast %parallel_loop3A_159 : i32 to index
      %parallel_loop3A_268 = arith.constant 16 : index
      %parallel_loop3A_269 = tpu.vector_load %arg5[%parallel_loop3A_266, %parallel_loop3A_267, %parallel_loop3A_268] {strides = array<i32>} : memref<2x256x64xf32, #tpu.memory_space<vmem>>, vector<16xf32>,
      tpu.vector_store %arg5[%parallel_loop3A_266, %parallel_loop3A_267, %parallel_loop3A_268], %broadcast_in_dim3A_17 {strides = array<i32>} : memref<2x256x64xf32, #tpu.memory_space<vmem>>, vector<16xf32>,
      %parallel_loop3A_270 = arith.constant 1 : i32
      %parallel_loop3A_271 = arith.index_cast %parallel_loop3A_270 : i32 to index
      %parallel_loop3A_272 = arith.index_cast %parallel_loop3A_159 : i32 to index
      %parallel_loop3A_273 = arith.constant 32 : index
      %parallel_loop3A_274 = tpu.vector_load %arg5[%parallel_loop3A_271, %parallel_loop3A_272, %parallel_loop3A_273] {strides = array<i32>} : memref<2x256x64xf32, #tpu.memory_space<vmem>>, vector<16xf32>,
      tpu.vector_store %arg5[%parallel_loop3A_271, %parallel_loop3A_272, %parallel_loop3A_273], %broadcast_in_dim3A_17 {strides = array<i32>} : memref<2x256x64xf32, #tpu.memory_space<vmem>>, vector<16xf32>,
      %parallel_loop3A_275 = arith.constant 1 : i32
      %parallel_loop3A_276 = arith.index_cast %parallel_loop3A_275 : i32 to index
      %parallel_loop3A_277 = arith.index_cast %parallel_loop3A_159 : i32 to index
      %parallel_loop3A_278 = arith.constant 48 : index
      %parallel_loop3A_279 = tpu.vector_load %arg5[%parallel_loop3A_276, %parallel_loop3A_277, %parallel_loop3A_278] {strides = array<i32>} : memref<2x256x64xf32, #tpu.memory_space<vmem>>, vector<16xf32>,
      tpu.vector_store %arg5[%parallel_loop3A_276, %parallel_loop3A_277, %parallel_loop3A_278], %broadcast_in_dim3A_17 {strides = array<i32>} : memref<2x256x64xf32, #tpu.memory_space<vmem>>, vector<16xf32>,
      %parallel_loop3A_280 = vector.broadcast %parallel_loop3A_159 : i32 to vector<16xi32>
      %parallel_loop3A_281 = arith.constant 1 : i32
      %parallel_loop3A_282 = arith.constant 0 : i32
      %parallel_loop3A_283 = arith.constant 0 : i32
      %parallel_loop3A_284 = tpu.memref_slice %arg5[%parallel_loop3A_281, %parallel_loop3A_282, %parallel_loop3A_283] : memref<2x256x64xf32, #tpu.memory_space<vmem>> -> memref<1x256x64xf32, #tpu.memory_space<vmem>>
      %parallel_loop3A_285 = tpu.memref_squeeze %parallel_loop3A_284 : memref<1x256x64xf32, #tpu.memory_space<vmem>> -> memref<256x64xf32, #tpu.memory_space<vmem>>
      tpu.vector_store_idx %parallel_loop3A_285[%parallel_loop3A_280, %parallel_loop3A_243], %parallel_loop3A_259 masked %lt3A_4 : memref<256x64xf32, #tpu.memory_space<vmem>>[vector<16xi32>, vector<16xi32>], vector<16xf32>, vector<16xi1>
    } {sc.loop_unroll_factor = 4 : i64, sc.parallel_access}
    %add3A_109 = arith.constant 256 : i32
    %add3A_110 = arith.addi %mul3A_2, %add3A_109 : i32
    %dma_start3A_111 = arith.constant 1 : i32
    %dma_start3A_112 = arith.constant 3 : i32
    %dma_start3A_113 = arith.constant 0 : i32
    %dma_start3A_114 = arith.constant 0 : i32
    %dma_start3A_115 = tpu.memref_slice %arg5[%dma_start3A_111, %dma_start3A_113, %dma_start3A_114] : memref<2x256x64xf32, #tpu.memory_space<vmem>> -> memref<1x256x64xf32, #tpu.memory_space<vmem>>
    %dma_start3A_116 = tpu.memref_squeeze %dma_start3A_115 : memref<1x256x64xf32, #tpu.memory_space<vmem>> -> memref<256x64xf32, #tpu.memory_space<vmem>>
    %dma_start3A_117 = arith.constant 0 : i32
    %dma_start3A_118 = tpu.memref_slice %arg3[%add3A_110, %dma_start3A_117] : memref<16384x64xf32, #tpu.memory_space<hbm>> -> memref<256x64xf32, #tpu.memory_space<hbm>>
    %dma_start3A_119 = tpu.memref_slice %arg6[%dma_start3A_112] : memref<4x!tpu.dma_semaphore, #tpu.memory_space<semaphore_mem>> -> memref<1x!tpu.dma_semaphore, #tpu.memory_space<semaphore_mem>>
    %dma_start3A_120 = tpu.memref_squeeze %dma_start3A_119 : memref<1x!tpu.dma_semaphore, #tpu.memory_space<semaphore_mem>> -> memref<!tpu.dma_semaphore, #tpu.memory_space<semaphore_mem>>
    %dma_start3A_121 = arith.constant 0 : i32
    %dma_start3A_122 = tpu.memref_slice %arg3[%add3A_110, %dma_start3A_121] : memref<16384x64xf32, #tpu.memory_space<hbm>> -> memref<256x64xf32, #tpu.memory_space<hbm>>
    %dma_start3A_123 = arith.constant 0 : i32
    %dma_start3A_124 = arith.constant 0 : i32
    %dma_start3A_125 = tpu.memref_slice %arg5[%dma_start3A_111, %dma_start3A_123, %dma_start3A_124] : memref<2x256x64xf32, #tpu.memory_space<vmem>> -> memref<1x256x64xf32, #tpu.memory_space<vmem>>
    %dma_start3A_126 = tpu.memref_squeeze %dma_start3A_125 : memref<1x256x64xf32, #tpu.memory_space<vmem>> -> memref<256x64xf32, #tpu.memory_space<vmem>>
    tpu.enqueue_dma source(%dma_start3A_126 : memref<256x64xf32, #tpu.memory_space<vmem>>) target(%dma_start3A_122 : memref<256x64xf32, #tpu.memory_space<hbm>>) target_semaphore(%dma_start3A_120 : memref<!tpu.dma_semaphore, #tpu.memory_space<semaphore_mem>>)
    %dma_wait3A_127 = arith.constant 0 : i32
    %dma_wait3A_128 = arith.constant 2 : i32
    %dma_wait3A_129 = arith.constant 0 : i32
    %dma_wait3A_130 = arith.constant 0 : i32
    %dma_wait3A_131 = tpu.memref_slice %arg5[%dma_wait3A_127, %dma_wait3A_129, %dma_wait3A_130] : memref<2x256x64xf32, #tpu.memory_space<vmem>> -> memref<1x256x64xf32, #tpu.memory_space<vmem>>
    %dma_wait3A_132 = tpu.memref_squeeze %dma_wait3A_131 : memref<1x256x64xf32, #tpu.memory_space<vmem>> -> memref<256x64xf32, #tpu.memory_space<vmem>>
    %dma_wait3A_133 = arith.constant 0 : i32
    %dma_wait3A_134 = tpu.memref_slice %arg3[%add3A_73, %dma_wait3A_133] : memref<16384x64xf32, #tpu.memory_space<hbm>> -> memref<256x64xf32, #tpu.memory_space<hbm>>
    %dma_wait3A_135 = tpu.memref_slice %arg6[%dma_wait3A_128] : memref<4x!tpu.dma_semaphore, #tpu.memory_space<semaphore_mem>> -> memref<1x!tpu.dma_semaphore, #tpu.memory_space<semaphore_mem>>
    %dma_wait3A_136 = tpu.memref_squeeze %dma_wait3A_135 : memref<1x!tpu.dma_semaphore, #tpu.memory_space<semaphore_mem>> -> memref<!tpu.dma_semaphore, #tpu.memory_space<semaphore_mem>>
    %dma_wait3A_137 = arith.constant 0 : i32
    %dma_wait3A_138 = tpu.memref_slice %arg3[%add3A_73, %dma_wait3A_137] : memref<16384x64xf32, #tpu.memory_space<hbm>> -> memref<256x64xf32, #tpu.memory_space<hbm>>
    %dma_wait3A_139 = arith.constant 0 : i32
    %dma_wait3A_140 = arith.constant 0 : i32
    %dma_wait3A_141 = tpu.memref_slice %arg5[%dma_wait3A_127, %dma_wait3A_139, %dma_wait3A_140] : memref<2x256x64xf32, #tpu.memory_space<vmem>> -> memref<1x256x64xf32, #tpu.memory_space<vmem>>
    %dma_wait3A_142 = tpu.memref_squeeze %dma_wait3A_141 : memref<1x256x64xf32, #tpu.memory_space<vmem>> -> memref<256x64xf32, #tpu.memory_space<vmem>>
    tpu.wait_dma2 semaphore(%dma_wait3A_136 : memref<!tpu.dma_semaphore, #tpu.memory_space<semaphore_mem>>) src(%dma_wait3A_142 : memref<256x64xf32, #tpu.memory_space<vmem>>) dst(%dma_wait3A_138 : memref<256x64xf32, #tpu.memory_space<hbm>>)
    %dma_wait3A_143 = arith.constant 1 : i32
    %dma_wait3A_144 = arith.constant 3 : i32
    %dma_wait3A_145 = arith.constant 0 : i32
    %dma_wait3A_146 = arith.constant 0 : i32
    %dma_wait3A_147 = tpu.memref_slice %arg5[%dma_wait3A_143, %dma_wait3A_145, %dma_wait3A_146] : memref<2x256x64xf32, #tpu.memory_space<vmem>> -> memref<1x256x64xf32, #tpu.memory_space<vmem>>
    %dma_wait3A_148 = tpu.memref_squeeze %dma_wait3A_147 : memref<1x256x64xf32, #tpu.memory_space<vmem>> -> memref<256x64xf32, #tpu.memory_space<vmem>>
    %dma_wait3A_149 = arith.constant 0 : i32
    %dma_wait3A_150 = tpu.memref_slice %arg3[%add3A_110, %dma_wait3A_149] : memref<16384x64xf32, #tpu.memory_space<hbm>> -> memref<256x64xf32, #tpu.memory_space<hbm>>
    %dma_wait3A_151 = tpu.memref_slice %arg6[%dma_wait3A_144] : memref<4x!tpu.dma_semaphore, #tpu.memory_space<semaphore_mem>> -> memref<1x!tpu.dma_semaphore, #tpu.memory_space<semaphore_mem>>
    %dma_wait3A_152 = tpu.memref_squeeze %dma_wait3A_151 : memref<1x!tpu.dma_semaphore, #tpu.memory_space<semaphore_mem>> -> memref<!tpu.dma_semaphore, #tpu.memory_space<semaphore_mem>>
    %dma_wait3A_153 = arith.constant 0 : i32
    %dma_wait3A_154 = tpu.memref_slice %arg3[%add3A_110, %dma_wait3A_153] : memref<16384x64xf32, #tpu.memory_space<hbm>> -> memref<256x64xf32, #tpu.memory_space<hbm>>
    %dma_wait3A_155 = arith.constant 0 : i32
    %dma_wait3A_156 = arith.constant 0 : i32
    %dma_wait3A_157 = tpu.memref_slice %arg5[%dma_wait3A_143, %dma_wait3A_155, %dma_wait3A_156] : memref<2x256x64xf32, #tpu.memory_space<vmem>> -> memref<1x256x64xf32, #tpu.memory_space<vmem>>
    %dma_wait3A_158 = tpu.memref_squeeze %dma_wait3A_157 : memref<1x256x64xf32, #tpu.memory_space<vmem>> -> memref<256x64xf32, #tpu.memory_space<vmem>>
    tpu.wait_dma2 semaphore(%dma_wait3A_152 : memref<!tpu.dma_semaphore, #tpu.memory_space<semaphore_mem>>) src(%dma_wait3A_158 : memref<256x64xf32, #tpu.memory_space<vmem>>) dst(%dma_wait3A_154 : memref<256x64xf32, #tpu.memory_space<hbm>>)
    return
  }
}

module attributes {stable_mosaic.version = 14 : i64} {
  func.func @_mm_body(%arg0: i32, %arg1: memref<512x4096xf32, #tpu.memory_space<vmem>>, %arg2: memref<4096x64xf32, #tpu.memory_space<vmem>>, %arg3: memref<512x64xf32, #tpu.memory_space<vmem>>) attributes {dimension_semantics = [#tpu.dimension_semantics<arbitrary>], iteration_bounds = array<i64: 32>, scalar_prefetch = 0 : i64, scratch_operands = 0 : i64, tpu.core_type = #tpu.core_type<tc>, window_params = [{transform_indices = @transform_0, window_bounds = array<i64: 512, 4096>}, {pipeline_mode = #tpu.pipeline_mode<synchronous>, transform_indices = @transform_1, window_bounds = array<i64: 4096, 64>}, {transform_indices = @transform_2, window_bounds = array<i64: 512, 64>}]} {
    %get3A = arith.constant 0 : index
    %get3A_0 = arith.constant 0 : index
    %get3A_1 = vector.load %arg1[%get3A, %get3A_0] : memref<512x4096xf32, #tpu.memory_space<vmem>>, vector<512x4096xf32>
    %get3A_2 = arith.constant 0 : index
    %get3A_3 = arith.constant 0 : index
    %get3A_4 = vector.load %arg2[%get3A_2, %get3A_3] : memref<4096x64xf32, #tpu.memory_space<vmem>>, vector<4096x64xf32>
    %dot_general3A = arith.constant dense<0.000000e+00> : vector<512x64xf32>
    %dot_general3A_5 = tpu.matmul %get3A_1, %get3A_4, %dot_general3A {dimension_numbers = #tpu.dot_dimension_numbers<[1], [0], [0], [1], [0, 0, 1, 1], [], []>, transpose_lhs_hint = false} : vector<512x4096xf32>, vector<4096x64xf32>, vector<512x64xf32> -> vector<512x64xf32>
    %swap3A = arith.constant 0 : index
    %swap3A_6 = arith.constant 0 : index
    %swap3A_7 = vector.load %arg3[%swap3A, %swap3A_6] : memref<512x64xf32, #tpu.memory_space<vmem>>, vector<512x64xf32>
    tpu.vector_store %arg3[%swap3A, %swap3A_6], %dot_general3A_5 {strides = array<i32>} : memref<512x64xf32, #tpu.memory_space<vmem>>, vector<512x64xf32>,
    return
  }
  func.func @transform_0(%arg0: i32) -> (i32, i32) {
    %c0_i32 = arith.constant 0 : i32
    %c0_i32_0 = arith.constant 0 : i32
    return %arg0, %c0_i32 : i32, i32
  }
  func.func @transform_1(%arg0: i32) -> (i32, i32) {
    %c0_i32 = arith.constant 0 : i32
    %c0_i32_0 = arith.constant 0 : i32
    %c0_i32_1 = arith.constant 0 : i32
    return %c0_i32, %c0_i32_0 : i32, i32
  }
  func.func @transform_2(%arg0: i32) -> (i32, i32) {
    %c0_i32 = arith.constant 0 : i32
    %c0_i32_0 = arith.constant 0 : i32
    return %arg0, %c0_i32 : i32, i32
  }
}

</mosaic_0001>

<sc_bundles>
// kernel: kernel.4.cloned.1.call-start
scs
__scs_entry_jumppad:
0x0: {  	(pc) =	sbr.rel $0x88, $3  }
0x1: {  	(tag) =	ssettag $0x0;
	lr =	simm.s32 $0x1  }
0x2: {  	[smem:$0x3F9F] =	sst lr;
	_ =	strace $0xD0000000  }
0x3: {  	_ = 	snop  }
0x4: {  	_ = 	snop  }
0x5: {  	_ = 	snop  }
0x6: {  	_ = 	snop  }
0x7: {  	_ = 	snop  }
__scs_overlays_trampoline_lowered:
0x8: {  	[smem:$0x3FAE] =	sst s0  }
0x9: {  	[smem:$0x3FAF] =	sst s1  }
0xa: {  	[smem:$0x3FB0] =	sst s2  }
0xb: {  	[smem:$0x3FB1] =	sst s3  }
0xc: {  	[smem:$0x3FB2] =	sst s4  }
0xd: {  	[smem:$0x3FB3] =	sst s5  }
0xe: {  	[smem:$0x3FB4] =	sst s6  }
0xf: {  	[smem:$0x3FB5] =	sst s7  }
0x10: {  	[smem:$0x3FB6] =	sst s8  }
0x11: {  	[smem:$0x3FB7] =	sst s9;
	s0 =	simm.s32 @!p0 $0x0  }
0x12: {  	s1 =	sld [smem:$0x3F9D];
	s0 =	simm.s32 @p0 $0x1  }
0x13: {  	[smem:$0x3FB8] =	sst s0;
	s0 =	simm.s32 @!p1 $0x0  }
0x14: {  	s2 =	sld [smem:$0x3F9C];
	s0 =	simm.s32 @p1 $0x1  }
0x15: {  	[smem:$0x3FB9] =	sst s0;
	s0 =	simm.s32 @!p2 $0x0  }
0x16: {  	s3 =	sld [smem:$0x3FDB];
	s0 =	simm.s32 @p2 $0x1  }
0x17: {  	s4 =	simm.s32 $0x1BF5;
	[smem:$0x3FBB] =	sst s0  }
0x18: {  	s0 =	sld [smem:$0x3F9E];
	_ =	swait.ge [sflag:s4], $0x0  }
0x19: {  	s7 =	sld [smem:$0x3F9F]  }
0x1a: {  	s8 =	sadd.s32 $0xFFFFE003, lr  }
0x1b: {  	s9 =	sadd.s32 $0xFFFFFEF7, lr;
	s5 =	simm.s32 $0xFFFFFFFF;
	p2 =	slt.u32 s8, $0xFFFFF086  }
0x1c: {  	p1 =	slt.u32 s9, $0xF7A;
	s5 =	simm.s32 @!p2 $0x0  }
0x1d: {  	s5 =	simm.s32 @p1 $0x1;
	p0 =	seq.s32 s7, s2  }
0x1e: {  	s7 =	smul.u32 @!p0 $0xF7A, s2;
	p2 =	seq.s32 @!p0 s5, $0x0  }
0x1f: {  	s9 =	smul.u32 $0xF7A, s1;
	s8 =	simm.s32 @!p0 $0x1BF5;
	p2 =	por !p2, p0  }
0x20: {  	[sflag:s8] =	ssyncset.s32 @!p0 $0xFFFFF086;
	s6 =	sadd.s32 @!p0 s3, s7;
	s7 =	simm.s32 @!p0 $0x108  }
0x21: {  	s3 =	sadd.s32 s3, s9;
	s6 =	sadd.s32 @!p0 $0x88, s6;
	s7 =	simm.s32 @p2 $0x1082  }
0x22: {  	[simem:s7], [sflag:s8] =	dma.local @!p0 [hbm:s6], $0xF7A  }
0x23: {  	s9 =	sor.u32 $0xD0000000, s2;
	s6 =	simm.s32 $0x108;
	_ =	swait.ge @!p0 [sflag:s8], $0x0  }
0x24: {  	s3 =	sadd.s32 $0x88, s3;
	s6 =	simm.s32 @!p1 $0x1082;
	[sflag:s4] =	ssyncset.s32 $0xFFFFF086  }
0x25: {  	[simem:s6], [sflag:s4] =	dma.local [hbm:s3], $0xF7A  }
0x26: {  	[smem:$0x3F9F] =	sst s1;
	(tag) =	ssettag s2;
	_ =	strace s9  }
0x27: {  	s1 =	sld [smem:$0x3FAF]  }
0x28: {  	s2 =	sld [smem:$0x3FB0]  }
0x29: {  	s4 =	sld [smem:$0x3FB2]  }
0x2a: {  	p0 =	seq.s32 s5, $0x0;
	s5 =	sld [smem:$0x3FB3]  }
0x2b: {  	s6 =	sld [smem:$0x3FB4]  }
0x2c: {  	s7 =	sld [smem:$0x3FB5]  }
0x2d: {  	s3 =	simm.s32 $0x108;
	s8 =	sld [smem:$0x3FB6]  }
0x2e: {  	s3 =	simm.s32 @!p0 $0x1082;
	s9 =	sld [smem:$0x3FB7]  }
0x2f: {  	lr =	sadd.s32 s0, s3;
	s0 =	sld [smem:$0x3FAE]  }
0x30: {  	s3 =	sld [smem:$0x3FB1]  }
0x31: {  	[smem:$0x3FBA] =	sst s10  }
0x32: {  	s10 =	sld [smem:$0x3FB8];
	_ =	sdelay $0x3  }
0x33: {  	p0 =	seq.s32 s10, $0x1;
	s10 =	sld [smem:$0x3FBA];
	_ =	sdelay $0x3  }
0x34: {  	[smem:$0x3FBA] =	sst s10  }
0x35: {  	s10 =	sld [smem:$0x3FB9];
	_ =	sdelay $0x3  }
0x36: {  	p1 =	seq.s32 s10, $0x1;
	s10 =	sld [smem:$0x3FBA];
	_ =	sdelay $0x3  }
0x37: {  	[smem:$0x3FBA] =	sst s10  }
0x38: {  	s10 =	sld [smem:$0x3FBB]  }
0x39: {  	_ = 	snop;
	(pc) =	sbr.ind lr, $3  }
0x3a: {  	_ = 	snop  }
0x3b: {  	_ = 	snop  }
0x3c: {  	p2 =	seq.s32 s10, $0x1;
	s10 =	sld [smem:$0x3FBA]  }
0x3d: {  	_ =	shalt  }
0x3e: {  	_ =	shalt  }
0x3f: {  	_ =	shalt  }
0x40: {  	_ =	shalt  }
0x41: {  	_ =	shalt  }
0x42: {  	_ =	shalt  }
0x43: {  	_ =	shalt  }
0x44: {  	_ =	shalt  }
0x45: {  	_ =	shalt  }
0x46: {  	_ =	shalt  }
0x47: {  	_ =	shalt  }
0x48: {  	_ =	shalt  }
0x49: {  	_ =	shalt  }
0x4a: {  	_ =	shalt  }
0x4b: {  	_ =	shalt  }
0x4c: {  	_ =	shalt  }
0x4d: {  	_ =	shalt  }
0x4e: {  	_ =	shalt  }
0x4f: {  	_ =	shalt  }
0x50: {  	_ =	shalt  }
0x51: {  	_ =	shalt  }
0x52: {  	_ =	shalt  }
0x53: {  	_ =	shalt  }
0x54: {  	_ =	shalt  }
0x55: {  	_ =	shalt  }
0x56: {  	_ =	shalt  }
0x57: {  	_ =	shalt  }
0x58: {  	_ =	shalt  }
0x59: {  	_ =	shalt  }
0x5a: {  	_ =	shalt  }
0x5b: {  	_ =	shalt  }
0x5c: {  	_ =	shalt  }
0x5d: {  	_ =	shalt  }
0x5e: {  	_ =	shalt  }
0x5f: {  	_ =	shalt  }
0x60: {  	_ =	shalt  }
0x61: {  	_ =	shalt  }
0x62: {  	_ =	shalt  }
0x63: {  	_ =	shalt  }
0x64: {  	_ =	shalt  }
0x65: {  	_ =	shalt  }
0x66: {  	_ =	shalt  }
0x67: {  	_ =	shalt  }
0x68: {  	_ =	shalt  }
0x69: {  	_ =	shalt  }
0x6a: {  	_ =	shalt  }
0x6b: {  	_ =	shalt  }
0x6c: {  	_ =	shalt  }
0x6d: {  	_ =	shalt  }
0x6e: {  	_ =	shalt  }
0x6f: {  	_ =	shalt  }
0x70: {  	_ =	shalt  }
0x71: {  	_ =	shalt  }
0x72: {  	_ =	shalt  }
0x73: {  	_ =	shalt  }
0x74: {  	_ =	shalt  }
0x75: {  	_ =	shalt  }
0x76: {  	_ =	shalt  }
0x77: {  	_ =	shalt  }
0x78: {  	_ =	shalt  }
0x79: {  	_ =	shalt  }
0x7a: {  	_ =	shalt  }
0x7b: {  	_ =	shalt  }
0x7c: {  	_ =	shalt  }
0x7d: {  	_ =	shalt  }
0x7e: {  	_ =	shalt  }
0x7f: {  	_ =	shalt  }
0x80: {  	_ =	shalt  }
0x81: {  	_ =	shalt  }
0x82: {  	_ =	shalt  }
0x83: {  	_ =	shalt  }
0x84: {  	_ =	shalt  }
0x85: {  	_ =	shalt  }
0x86: {  	_ =	shalt  }
0x87: {  	_ =	shalt  }
.Lfunc_end0:
.L_simem_size_0:
called_computation_lowered:
.L_overlay_start_0:
0x88: {  	s2 =	sld [smem:$0x3FD9]  }
0x89: {  	s3 =	sld [smem:$0x3FFE];
	_ =	sdelay $0x1  }
0x8a: {  	s1 =	srdreg.scid  }
0x8b: {  	s0 =	sand.u32 $0x1, s1  }
0x8c: {  	s16 =	sshll.u32 s0, $0xA;
	s2 =	sadd.s32 s3, s2  }
0x8d: {  	s2 =	sadd.s32 s2, s16  }
0x8e: {  	[smem:$0x3FC6] =	sst s2  }
0x8f: {  	_ = 	snop  }
0x90: {  	(tm) =	ssettm $0x1  }
0x91: {  	s17 =	sld [smem:$0x3FFB];
	_ =	sdelay $0x3  }
0x92: {  	_ =	strace s17  }
0x93: {  	s2 =	sld [smem:$0x3FFC];
	_ =	sdelay $0x3  }
0x94: {  	_ =	strace s2  }
0x95: {  	s2 =	sld [smem:$0x3FFD];
	_ =	sdelay $0x3  }
0x96: {  	_ =	strace s2  }
0x97: {  	_ =	strace $0x8FFFFFFF  }
0x98: {  	s18 =	sld [smem:$0x3FDB];
	_ =	sdelay $0x1  }
0x99: {  	s19 =	simm.s32 $_scs_section_size  }
0x9a: {  	s4 =	simm.s32 $_size__tile_overlayer_lowered;
	s5 =	simm.s32 $_tile_overlayer_lowered  }
0x9b: {  	s22 =	simm.s32 $0x1BFF;
	s21 =	sshll.u32 s5, $0x1;
	s2 =	sadd.s32 s19, s18  }
0x9c: {  	s6 =	simm.s32 $0x0;
	s20 =	sshll.u32 s4, $0x1;
	s4 =	sadd.s32 s21, s2  }
0x9d: {  	[timem:s6], [sflag:s22] =	dma.local [hbm:s4], s20  }
0x9e: {  	_ =	swait.ge [sflag:s22], s20  }
0x9f: {  	s3 =	ssub.s32 $0x0, s20;
	[sflag:s22] =	ssyncset.done $0x0  }
0xa0: {  	[sflag:s22] =	ssyncadd.s32 s3;
	_ =	sdelay $0x1  }
0xa1: {  	s23 =	simm.s32 $0x1B8B  }
0xa2: {  	_ =	swait.ge [sflag:s23], $0x1  }
0xa3: {  	[sflag:s23] =	ssyncset.done $0x0  }
0xa4: {  	s25 =	simm.s32 $0x1B8E;
	s24 =	sld [smem:$0x3FFE];
	[sflag:s23] =	ssyncadd.s32 $0xFFFFFFFF  }
0xa5: {  	s26 =	simm.s32 $execute0_lowered;
	[smem:$0x3FD2] =	sst s25  }
0xa6: {  	s4 =	sshll.u32 s26, $0x1;
	_ =	strace $0x80000046;
	[dreg:$0x1] =	wrdreg $0xFFFFFFFF  }
0xa7: {  	s28 =	simm.s32 $_size_execute0_lowered;
	s2 =	sadd.s32 s2, s4;
	[dreg:$0x0] =	wrdreg $0x0  }
0xa8: {  	s4 =	sshll.u32 s28, $0x1;
	[dreg:$0x2] =	wrdreg s2  }
0xa9: {  	[dreg:$0x3] =	wrdreg s4  }
0xaa: {  	[dreg:$0x4] =	wrdreg $0xC0  }
0xab: {  	_ =	task [dreg:s6], $0x5FFFF  }
0xac: {  	[dreg:$0x1] =	wrdreg $0xFFFFFFFF  }
0xad: {  	[dreg:$0x0] =	wrdreg $0x60  }
0xae: {  	[dreg:$0x2] =	wrdreg s24  }
0xaf: {  	[dreg:$0x3] =	wrdreg $0x9  }
0xb0: {  	_ =	task.clear_ibuf [dreg:s6], $0x4FFFF;
	_ =	strace $0x90000046  }
0xb1: {  	s29 =	simm.s32 $0x9;
	_ =	strace $0x80000048  }
0xb2: {  	_ =	swait.ge [sflag:s29], $0x1  }
0xb3: {  	[sflag:s29] =	ssyncadd.s32 $0xFFFFFFFF  }
0xb4: {  	_ =	strace $0x90000048  }
0xb5: {  	_ =	sfence  }
0xb6: {  	s30 =	sld [smem:$0x0];
	_ =	sdelay $0x2  }
0xb7: {  	s31 =	sshll.u32 s1, $0xD;
	s1 =	sshrl.u32 s1, $0x2  }
0xb8: {  	s3 =	sand.u32 $0x4000, s31;
	s1 =	sadd.s32 s1, s30  }
0xb9: {  	s0 =	sor.u32 s3, s0;
	s1 =	sshll.u32 s1, $0x11  }
0xba: {  	s0 =	sor.u32 s1, s0  }
0xbb: {  	s0 =	sadd.s32 $0x8F2B, s0  }
0xbc: {  	[sflag:s0] =	ssyncadd.remote.s32 $0x1  }
0xbd: {  	_ =	sfence.sel $0xFFFF  }
0xbe: {  	[dreg:$0x0] =	wrdreg $0xFFFFFFFF;
	(pc) =	sbr.abs _section_cstart, $3  }
0xbf: {  	[dreg:$0x1] =	wrdreg $0xFFFFFFFF  }
0xc0: {  	_ =	task.clear_ibuf [dreg:s6], $0x2FFFF;
	_ =	strace $0x9FFFFFFF  }
0xc1: {  	(tm) =	ssettm $0x7FFFFFFF  }
tec
execute0_lowered:
.L_overlay_start_1:
0x0: {  	(tag) =	ssettag $0x1  }
0x1: {  	s3 =	rddreg [dreg:$0x0]  }
0x2: {  	s0 =	rddreg [dreg:$0x1];
	s1 =	simm.s32 $0x0  }
0x3: {  	s4 =	srdreg.scid;
	s2 =	stileid.u32;
	s10 =	simm.s32 $0x10000  }
0x4: {  	s11 =	simm.s32 $0x2;
	s12 =	simm.s32 $0x18000;
	s13 =	simm.s32 $0x3  }
0x5: {  	s14 =	simm.s32 $0x4;
	s15 =	simm.s32 $0x0;
	[smem:$0x7FF] =	sst s1  }
0x6: {  	s5 =	sadd.s32 $0x600, s3;
	s4 =	sand.u32 $0x1, s4;
	s7 =	sshll.u32 s2, $0xE  }
0x7: {  	s8 =	sadd.s32 $0x40600, s3;
	s6 =	ssub.s32 $0x2, s4;
	s4 =	sshll.u32 s4, $0xD  }
0x8: {  	v0 =	vlaneseq.u32;
	_ =	strace $0x80000047;
	s30 =	sshrl.u32 s6, $0x1;
	s7 =	sor.u32 s4, s7  }
0x9: {  	vm0 =	vmmov $0xff;
	v2 =	vmul.u32 $0xFFFFFFFF, v0;
	s9 =	ssub.s32 s6, s30;
	s3 =	sadd.s32 s5, s7;
	s31 =	sor.u32 $0x1000, s7  }
0xa: {  	v5 =	vimm.s32 $0x0;
	v6 =	vimm.f32 $0.0e+00;
	v1 =	vor.u32 $0x10, v0;
	s4 =	sadd.s32 s5, s31;
	s5 =	sadd.s32 s8, s7;
	s6 =	sadd.s32 s8, s31  }
0xb: {  	v3 =	vor.u32 $0x20, v0;
	v4 =	vor.u32 $0x30, v0;
	v2 =	vadd.s32 $0xF, v2;
	s7 =	smax.u32 s9, $0x1;
	s8 =	simm.s32 $0x8000;
	s9 =	simm.s32 $0x1  }
.LBB2_1:
0xc: {  	[tilespmem:s1], [sflag:$0x1] =	stream.linear.gather [hbm4b:s3+s1], $0x8000, $0x38;
	v63 =	vld [tilespmem:$0x0]  }
0xd: {  	_ = 	snop  }
0xe: {  	[tilespmem:s8], [sflag:$0x2] =	stream.linear.gather [hbm4b:s4+s1], $0x8000, $0x38;
	v63 =	vld [tilespmem:$0x0]  }
0xf: {  	_ =	swait.ge [sflag:s9], $0x8000  }
0x10: {  	[sflag:s9] =	ssyncset.done $0x0  }
0x11: {  	s16 =	simm.s32 $0x100;
	[sflag:s9] =	ssyncadd.s32 $0xFFFF8000  }
0x12: {  	v7 =	vld [tilespmem:s16+$0xFFFFFF30]  }
0x13: {  	v8 =	vld [tilespmem:s16+$0xFFFFFF10]  }
0x14: {  	v9 =	vld [tilespmem:s16+$0xFFFFFF00]  }
0x15: {  	v10 =	vld [tilespmem:s16+$0x30]  }
0x16: {  	v11 =	vld [tilespmem:s16+$0x80]  }
0x17: {  	v12 =	vld [tilespmem:s16+$0x10];
	(xrf1) =	vsort.dscd.msk.f32 $0xffff, v7, v4  }
0x18: {  	v7 =	vld [tilespmem:s16+$0xB0];
	(xrf1) =	vsort.dscd.msk.f32 $0xffff, v8, v1  }
0x19: {  	v8 =	vld [tilespmem:s16+$0xFFFFFF90];
	(xrf1) =	vsort.dscd.msk.f32 $0xffff, v9, v0  }
0x1a: {  	(xrf1) =	vsort.dscd.msk.f32 $0xffff, v10, v4  }
0x1b: {  	v9 =	vld [tilespmem:s16+$0xFFFFFFA0];
	(xrf1) =	vsort.dscd.msk.f32 $0xffff, v11, v0  }
0x1c: {  	v10 =	vld [tilespmem:s16+$0x0];
	(xrf1) =	vsort.dscd.msk.f32 $0xffff, v12, v1  }
0x1d: {  	v11 =	vld [tilespmem:s16+$0xFFFFFFB0];
	(xrf1) =	vsort.dscd.msk.f32 $0xffff, v7, v4  }
0x1e: {  	v12 =	vld [tilespmem:s16+$0xFFFFFF80];
	(xrf1) =	vsort.dscd.msk.f32 $0xffff, v8, v1  }
0x1f: {  	v7 =	vld [tilespmem:s16+$0xFFFFFF20]  }
0x20: {  	(xrf1) =	vsort.dscd.msk.f32 $0xffff, v9, v3  }
0x21: {  	(xrf1) =	vsort.dscd.msk.f32 $0xffff, v10, v0  }
0x22: {  	v8 =	vld [tilespmem:s16+$0xA0];
	(xrf1) =	vsort.dscd.msk.f32 $0xffff, v11, v4  }
0x23: {  	v9 =	vld [tilespmem:s16+$0x90];
	(xrf1) =	vsort.dscd.msk.f32 $0xffff, v12, v0  }
0x24: {  	(xrf1) =	vsort.dscd.msk.f32 $0xffff, v7, v3  }
0x25: {  	v10, v11, _ =	vpop (xrf1)  }
0x26: {  	v12, v13, _ =	vpop (xrf1)  }
0x27: {  	(xrf1) =	vsort.dscd.msk.f32 $0xffff, v8, v3;
	v14, v15, _ =	vpop (xrf1)  }
0x28: {  	(xrf1) =	vsort.dscd.msk.f32 $0xffff, v9, v1;
	v7, v8, _ =	vpop (xrf1)  }
0x29: {  	v9, v16, _ =	vpop (xrf1)  }
0x2a: {  	v17, v18, _ =	vpop (xrf1)  }
0x2b: {  	v20, v21, _ =	vpop (xrf1)  }
0x2c: {  	s22 =	simm.s32 $0x300;
	v19 =	vld [tilespmem:s16+$0x20];
	v22, v23, _ =	vpop (xrf1)  }
0x2d: {  	v24 =	vld [tilespmem:s22+$0xFFFFFF30];
	v23 =	vperm.xlane v23, v2  }
0x2e: {  	v10 =	vperm.xlane v10, v2;
	v25, v26, _ =	vpop (xrf1)  }
0x2f: {  	v13 =	vperm.xlane v13, v2;
	v12 =	vperm.xlane v12, v2;
	v27, v28, _ =	vpop (xrf1)  }
0x30: {  	v11 =	vperm.xlane v11, v2;
	v22 =	vperm.xlane v22, v2;
	v29, v30, _ =	vpop (xrf1)  }
0x31: {  	(xrf1) =	vsort.dscd.msk.f32 $0xffff, v19, v3;
	v13 =	vsel vm0, v15, v13;
	v12 =	vsel vm0, v14, v12;
	v19, v31, _ =	vpop (xrf1)  }
0x32: {  	(xrf1) =	vsort.dscd.msk.f32 $0xffff, v24, v4;
	v19 =	vsel vm0, v19, v22;
	v22 =	vsel vm0, v31, v23;
	v15, v23, _ =	vpop (xrf1)  }
0x33: {  	v14 =	vld [tilespmem:s22+$0xFFFFFF10];
	(xrf1) =	vsort.dscd.msk.f32 $0xffff, v19, v22;
	v11 =	vsel vm0, v23, v11  }
0x34: {  	v19 =	vld [tilespmem:s22+$0xFFFFFF00];
	v10 =	vsel vm0, v15, v10;
	(xrf1) =	vsort.dscd.msk.f32 $0xffff, v12, v13  }
0x35: {  	v12, v13, _ =	vpop (xrf1);
	(xrf1) =	vsort.dscd.msk.f32 $0xffff, v10, v11  }
0x36: {  	v11, v15, _ =	vpop (xrf1)  }
0x37: {  	v10 =	vld [tilespmem:s22+$0x30];
	v11 =	vperm.xlane v11, v2  }
0x38: {  	v22 =	vld [tilespmem:s22+$0x80];
	(xrf1) =	vsort.dscd.msk.f32 $0xffff, v14, v1;
	v15 =	vperm.xlane v15, v2  }
0x39: {  	(xrf1) =	vsort.dscd.msk.f32 $0xffff, v19, v0;
	v9 =	vsel vm0, v9, v11  }
0x3a: {  	v14 =	vld [tilespmem:s22+$0x10];
	v11 =	vsel vm0, v16, v15;
	v15 =	vperm.xlane v21, v2;
	v16 =	vperm.xlane v20, v2  }
0x3b: {  	(xrf1) =	vsort.dscd.msk.f32 $0xffff, v9, v11;
	v11 =	vperm.xlane v30, v2  }
0x3c: {  	v19 =	vld [tilespmem:s22+$0xB0];
	v9 =	vperm.xlane v29, v2;
	(xrf1) =	vsort.dscd.msk.f32 $0xffff, v10, v4;
	v13 =	vsel vm0, v13, v15  }
0x3d: {  	v10 =	vld [tilespmem:s22+$0xFFFFFF90];
	v12 =	vsel vm0, v12, v16;
	(xrf1) =	vsort.dscd.msk.f32 $0xffff, v22, v0;
	v11 =	vsel vm0, v26, v11  }
0x3e: {  	(xrf1) =	vsort.dscd.msk.f32 $0xffff, v12, v13  }
0x3f: {  	v9 =	vsel vm0, v25, v9;
	(xrf1) =	vsort.dscd.msk.f32 $0xffff, v14, v1;
	v14, v16, _ =	vpop (xrf1)  }
0x40: {  	v15 =	vld [tilespmem:s22+$0xFFFFFFA0];
	(xrf1) =	vsort.dscd.msk.f32 $0xffff, v9, v11;
	v11, v20, _ =	vpop (xrf1)  }
0x41: {  	v12 =	vld [tilespmem:s22+$0x0];
	(xrf1) =	vsort.dscd.msk.f32 $0xffff, v19, v4;
	v21, v22, _ =	vpop (xrf1)  }
0x42: {  	v13 =	vld [tilespmem:s22+$0xFFFFFFB0];
	(xrf1) =	vsort.dscd.msk.f32 $0xffff, v10, v1;
	v10, v23, _ =	vpop (xrf1)  }
0x43: {  	v9 =	vld [tilespmem:s22+$0xFFFFFF80];
	v24, v25, _ =	vpop (xrf1)  }
0x44: {  	v19 =	vld [tilespmem:s22+$0xFFFFFF20];
	v24 =	vperm.xlane v24, v2;
	v25 =	vperm.xlane v25, v2  }
0x45: {  	(xrf1) =	vsort.dscd.msk.f32 $0xffff, v15, v3  }
0x46: {  	v15 =	vld [tilespmem:s22+$0xA0];
	(xrf1) =	vsort.dscd.msk.f32 $0xffff, v12, v0;
	v23 =	vsel vm0, v23, v25  }
0x47: {  	v12 =	vld [tilespmem:s22+$0x90];
	(xrf1) =	vsort.dscd.msk.f32 $0xffff, v13, v4;
	v10 =	vsel vm0, v10, v24  }
0x48: {  	(xrf1) =	vsort.dscd.msk.f32 $0xffff, v9, v0;
	v9, v13, _ =	vpop (xrf1)  }
0x49: {  	(xrf1) =	vsort.dscd.msk.f32 $0xffff, v19, v3;
	v19, v24, _ =	vpop (xrf1)  }
0x4a: {  	(xrf1) =	vsort.dscd.msk.f32 $0xffff, v10, v23;
	v10, v23, _ =	vpop (xrf1)  }
0x4b: {  	(xrf1) =	vsort.dscd.msk.f32 $0xffff, v15, v3;
	v15, v25, _ =	vpop (xrf1)  }
0x4c: {  	(xrf1) =	vsort.dscd.msk.f32 $0xffff, v12, v1;
	v12, v26, _ =	vpop (xrf1)  }
0x4d: {  	v17 =	vperm.xlane v17, v2;
	v30, v31, _ =	vpop (xrf1)  }
0x4e: {  	v29 =	vld [tilespmem:s22+$0x20];
	v32, v33, _ =	vpop (xrf1);
	v31 =	vperm.xlane v31, v2;
	v30 =	vperm.xlane v30, v2  }
0x4f: {  	v18 =	vperm.xlane v18, v2;
	v17 =	vsel vm0, v27, v17;
	v27, v34, _ =	vpop (xrf1)  }
0x50: {  	v27 =	vperm.xlane v27, v2  }
0x51: {  	v18 =	vsel vm0, v28, v18;
	v28, v35, _ =	vpop (xrf1);
	v23 =	vsel vm0, v23, v31  }
0x52: {  	s17 =	simm.s32 $0x10100;
	v34 =	vperm.xlane v34, v2;
	v31, v36, _ =	vpop (xrf1);
	v21 =	vsel vm0, v21, v27  }
0x53: {  	[tilespmem:s17+$0x0] =	vst v6;
	(xrf1) =	vsort.dscd.msk.f32 $0xffff, v29, v3;
	v10 =	vsel vm0, v10, v30;
	v29, v30, _ =	vpop (xrf1)  }
0x54: {  	s23 =	simm.s32 $0x500;
	[tilespmem:s17+$0x10] =	vst v6;
	(xrf1) =	vsort.dscd.msk.f32 $0xffff, v10, v23;
	v10 =	vsel vm0, v22, v34;
	v23, v38, _ =	vpop (xrf1)  }
0x55: {  	v37 =	vld [tilespmem:s23+$0xFFFFFF30];
	[tilespmem:s17+$0x20] =	vst v6;
	(xrf1) =	vsort.dscd.msk.f32 $0xffff, v17, v18;
	v22 =	vperm.xlane v31, v2;
	v27 =	vperm.xlane v36, v2;
	v17, v18, _ =	vpop (xrf1)  }
0x56: {  	[tilespmem:s17+$0x30] =	vst v6;
	(xrf1) =	vsort.dscd.msk.f32 $0xffff, v21, v10;
	v10 =	vperm.xlane v11, v2;
	v11 =	vperm.xlane v20, v2;
	v20, v21, _ =	vpop (xrf1)  }
0x57: {  	[tilespmem:s17+$0xFFFFFF90] =	vst v6;
	v13 =	vperm.xlane v13, v2;
	v21 =	vsel vm0, v21, v27  }
0x58: {  	[tilespmem:s17+$0xFFFFFFA0] =	vst v6;
	v9 =	vperm.xlane v9, v2;
	v20 =	vsel vm0, v20, v22  }
0x59: {  	[tilespmem:s17+$0xFFFFFFB0] =	vst v6;
	v13 =	vsel vm0, v24, v13;
	v31 =	vld [tilespmem:s23+$0xFFFFFF10];
	v53, v54, _ =	vpop (xrf1)  }
0x5a: {  	[tilespmem:s17+$0xFFFFFF80] =	vst v6;
	v9 =	vsel vm0, v19, v9;
	v19 =	vld [tilespmem:s23+$0xFFFFFF00];
	(xrf1) =	vsort.dscd.msk.f32 $0xffff, v37, v4;
	v22, v24, _ =	vpop (xrf1)  }
0x5b: {  	[tilespmem:s17+$0xFFFFFF00] =	vst v6;
	(xrf1) =	vsort.dscd.msk.f32 $0xffff, v20, v21;
	v20, v21, _ =	vpop (xrf1)  }
0x5c: {  	[tilespmem:s17+$0xFFFFFF10] =	vst v6;
	v10 =	vsel vm0, v53, v10;
	v11 =	vsel vm0, v54, v11;
	(xrf1) =	vsort.dscd.msk.f32 $0xffff, v9, v13;
	v13, v27, _ =	vpop (xrf1)  }
0x5d: {  	[tilespmem:s17+$0xFFFFFF20] =	vst v6;
	v9 =	vld [tilespmem:s23+$0x30];
	(xrf1) =	vsort.dscd.msk.f32 $0xffff, v10, v11;
	v10 =	vperm.xlane v13, v2  }
0x5e: {  	[tilespmem:s17+$0xFFFFFF30] =	vst v6;
	v8 =	vperm.xlane v8, v2;
	v11 =	vld [tilespmem:s23+$0x80];
	(xrf1) =	vsort.dscd.msk.f32 $0xffff, v31, v1;
	v13 =	vperm.xlane v27, v2  }
0x5f: {  	[tilespmem:s17+$0x80] =	vst v6;
	(xrf1) =	vsort.dscd.msk.f32 $0xffff, v19, v0;
	v19 =	vperm.xlane v28, v2;
	v10 =	vsel vm0, v12, v10  }
0x60: {  	[tilespmem:s17+$0x90] =	vst v6;
	v7 =	vperm.xlane v7, v2;
	v12 =	vsel vm0, v26, v13;
	v13 =	vperm.xlane v17, v2  }
0x61: {  	[tilespmem:s17+$0xA0] =	vst v6;
	v17 =	vperm.xlane v18, v2;
	v18 =	vld [tilespmem:s23+$0x10];
	(xrf1) =	vsort.dscd.msk.f32 $0xffff, v10, v12;
	v12 =	vperm.xlane v35, v2  }
0x62: {  	s24 =	simm.s32 $0x10300;
	[tilespmem:s17+$0xB0] =	vst v6;
	v8 =	vsel vm0, v16, v8;
	(xrf1) =	vsort.dscd.msk.f32 $0xffff, v9, v4  }
0x63: {  	[tilespmem:s24+$0x0] =	vst v6;
	v7 =	vsel vm0, v14, v7;
	(xrf1) =	vsort.dscd.msk.f32 $0xffff, v11, v0;
	v11 =	vsel vm0, v21, v12;
	v12 =	vld [tilespmem:s23+$0xB0];
	v9, v10, _ =	vpop (xrf1)  }
0x64: {  	[tilespmem:s24+$0x10] =	vst v6;
	v14 =	vsel vm0, v20, v19;
	v16, v19, _ =	vpop (xrf1);
	(xrf1) =	vsort.dscd.msk.f32 $0xffff, v7, v8;
	v7 =	vld [tilespmem:s23+$0xFFFFFF90]  }
0x65: {  	[tilespmem:s24+$0x20] =	vst v6;
	v8 =	vsel vm0, v29, v13;
	v13 =	vld [tilespmem:s23+$0xFFFFFFA0];
	(xrf1) =	vsort.dscd.msk.f32 $0xffff, v14, v11  }
0x66: {  	[tilespmem:s24+$0x30] =	vst v6;
	v20, v21, _ =	vpop (xrf1);
	v11 =	vsel vm0, v30, v17;
	(xrf1) =	vsort.dscd.msk.f32 $0xffff, v18, v1;
	v18 =	vld [tilespmem:s23+$0x0]  }
0x67: {  	[tilespmem:s24+$0xFFFFFF90] =	vst v6;
	v14, v17, _ =	vpop (xrf1);
	(xrf1) =	vsort.dscd.msk.f32 $0xffff, v8, v11;
	v8 =	vld [tilespmem:s23+$0xFFFFFFB0]  }
0x68: {  	[tilespmem:s24+$0xFFFFFFA0] =	vst v6;
	v26 =	vperm.xlane v14, v5;
	v11 =	vperm.xlane v25, v2;
	v25 =	vld [tilespmem:s23+$0xFFFFFF80];
	(xrf1) =	vsort.dscd.msk.f32 $0xffff, v12, v4  }
0x69: {  	[tilespmem:s24+$0xFFFFFFB0] =	vst v6;
	v27, v28, _ =	vpop (xrf1);
	v12 =	vperm.xlane v15, v2;
	v15 =	vld [tilespmem:s23+$0xFFFFFF20];
	(xrf1) =	vsort.dscd.msk.f32 $0xffff, v7, v1  }
0x6a: {  	[tilespmem:s24+$0xFFFFFF80] =	vst v6;
	v29, v30, _ =	vpop (xrf1);
	v14 =	vsub.f32 v14, v26;
	v26 =	vperm.xlane v32, v2;
	(xrf1) =	vsort.dscd.msk.f32 $0xffff, v13, v3  }
0x6b: {  	[tilespmem:s24+$0xFFFFFF00] =	vst v6;
	v31, v55, _ =	vpop (xrf1);
	v7 =	vperm.xlane v33, v2;
	(xrf1) =	vsort.dscd.msk.f32 $0xffff, v18, v0  }
0x6c: {  	[tilespmem:s24+$0xFFFFFF10] =	vst v6;
	v57, v56, _ =	vpop (xrf1);
	v13 =	vmul.f32 $1.442695020e+00, v14;
	v14 =	vsel vm0, v23, v26;
	(xrf1) =	vsort.dscd.msk.f32 $0xffff, v8, v4  }
0x6d: {  	s18 =	simm.s32 $0x0;
	v26 =	vperm.xlane v57, v2;
	v58 =	vsel vm0, v38, v7;
	v60, v59, _ =	vpop (xrf1);
	(xrf1) =	vsort.dscd.msk.f32 $0xffff, v25, v0;
	v25 =	vand.u32 $0xFFFFFF80, v24  }
0x6e: {  	v23 =	vld [tilespmem:s23+$0xA0];
	v7 =	vperm.xlane v56, v2;
	v62, v61, _ =	vpop (xrf1);
	(xrf1) =	vsort.dscd.msk.f32 $0xffff, v15, v3;
	v15 =	vand.u32 $0x7F, v24;
	v24 =	vadd.s32 s18, v25  }
0x6f: {  	[tilespmem:s24+$0xFFFFFF20] =	vst v6;
	v18 =	vld [tilespmem:s23+$0x90];
	v8 =	vperm.xlane v22, v5;
	(erf) = vpow2.f32 v13  }
0x70: {  	[tilespmem:s24+$0xFFFFFF30] =	vst v6;
	v13 =	vperm.xlane v16, v5;
	v26 =	vsel vm0, v31, v26;
	v31, v48, _ =	vpop (xrf1)  }
0x71: {  	[tilespmem:s24+$0x80] =	vst v6;
	v7 =	vsel vm0, v55, v7;
	v8 =	vsub.f32 v22, v8;
	v22, v25, _ =	vpop (xrf1)  }
0x72: {  	[tilespmem:s24+$0x90] =	vst v6;
	v13 =	vsub.f32 v16, v13;
	(xrf1) =	vsort.dscd.msk.f32 $0xffff, v26, v7;
	v7 =	vor.u32 v15, v24;
	v16, v24, _ =	vpop (xrf1)  }
0x73: {  	[tilespmem:s24+$0xA0] =	vst v6;
	(xrf1) =	vsort.dscd.msk.f32 $0xffff, v23, v3;
	v26, v49, _ =	vpop (xrf1)  }
0x74: {  	s26 =	simm.s32 $0x10500;
	[tilespmem:s24+$0xB0] =	vst v6;
	(xrf1) =	vsort.dscd.msk.f32 $0xffff, v18, v1;
	v26 =	vperm.xlane v26, v2  }
0x75: {  	v40 =	vld [tilespmem:s23+$0x20];
	[tilespmem:s26+$0x0] =	vst v6;
	v28 =	vperm.xlane v28, v2;
	v18, v39, _ =	vpop (xrf1)  }
0x76: {  	s25 =	simm.s32 $0x180;
	[tilespmem:s26+$0x10] =	vst v6;
	v15 =	vand.u32 $0xFFFFFF80, v19;
	v38 =	vperm.xlane v49, v2;
	v41, v42, _ =	vpop (xrf1);
	v20 =	vsel vm0, v20, v26  }
0x77: {  	[tilespmem:s26+$0x20] =	vst v6;
	v19 =	vand.u32 $0x7F, v19;
	v23 =	vmul.f32 $1.442695020e+00, v8;
	v8 =	vadd.s32 s25, v15;
	v50, v43, _ =	vpop (xrf1)  }
0x78: {  	[tilespmem:s26+$0x30] =	vst v6;
	v8 =	vor.u32 v19, v8;
	v19 =	vperm.xlane v25, v2;
	v21 =	vsel vm0, v21, v38;
	v26 =	vpop (erf)  }
0x79: {  	[tilespmem:s26+$0xFFFFFF90] =	vst v6;
	v25 =	vperm.xlane v27, v2;
	v53 =	vperm.xlane v18, v2;
	(xrf1) =	vsort.dscd.msk.f32 $0xffff, v20, v21;
	v20, v27, _ =	vpop (xrf1)  }
0x7a: {  	[tilespmem:s26+$0xFFFFFFA0] =	vst v6;
	v35 =	vperm.xlane v60, v2;
	v13 =	vmul.f32 $1.442695020e+00, v13;
	v52, v51, _ =	vpop (xrf1)  }
0x7b: {  	s28 =	simm.s32 $0x700;
	[tilespmem:s26+$0xFFFFFFB0] =	vst v6;
	v21 =	vperm.xlane v39, v2;
	v43 =	vperm.xlane v43, v2;
	v31 =	vsel vm0, v31, v53;
	v45, v46, _ =	vpop (xrf1)  }
0x7c: {  	v44 =	vld [tilespmem:s28+$0xFFFFFF30];
	v15 =	vand.u32 $0xFFFFFF80, v17;
	(xrf1) =	vsort.dscd.msk.f32 $0xffff, v40, v3;
	v18 =	vnsel vm0, $0x0, v26;
	v26 =	vperm.xlane v50, v2;
	v55, v54, _ =	vpop (xrf1)  }
0x7d: {  	(erf) = vpow2.f32 v23;
	v21 =	vsel vm0, v48, v21;
	v30 =	vsel vm0, v30, v43;
	(xrf2) =	vadd.scan.msk.f32 $0xffff, v18;
	v23, v56, _ =	vpop (xrf1)  }
0x7e: {  	s19 =	simm.s32 $0x80;
	v17 =	vand.u32 $0x7F, v17;
	v26 =	vsel vm0, v29, v26;
	v29 =	vsel vm0, v62, v35;
	(xrf1) =	vsort.dscd.msk.f32 $0xffff, v31, v21;
	v31, v57, _ =	vpop (xrf1)  }
0x7f: {  	v15 =	vadd.s32 s19, v15;
	v21 =	vperm.xlane v52, v2;
	(xrf1) =	vsort.dscd.msk.f32 $0xffff, v14, v58;
	v14 =	vperm.xlane v51, v2;
	v34, v35, _ =	vpop (xrf1)  }
0x80: {  	v15 =	vor.u32 v17, v15;
	v17 =	vperm.xlane v59, v2;
	(erf) = vpow2.f32 v13;
	v58 =	vld [tilespmem:s28+$0xFFFFFF10];
	(xrf1) =	vsort.dscd.msk.f32 $0xffff, v26, v30;
	v30, v13, _ =	vpop (xrf1)  }
0x81: {  	[tilespmem:s26+$0xFFFFFF80] =	vst v6;
	v26 =	vld [tilespmem:s28+$0xFFFFFF00];
	v21 =	vsel vm0, v31, v21;
	(xrf1) =	vsort.dscd.msk.f32 $0xffff, v44, v4;
	v14 =	vsel vm0, v57, v14;
	v60, v59, _ =	vpop (xrf1)  }
0x82: {  	[tilespmem:s26+$0xFFFFFF00] =	vst v6;
	v17 =	vsel vm0, v61, v17;
	(xrf1) =	vsort.dscd.msk.f32 $0xffff, v21, v14;
	v21 =	vsel vm0, v34, v25;
	v25, v34, _ =	vpop (xrf1)  }
0x83: {  	[tilespmem:s26+$0xFFFFFF10] =	vst v6;
	v28 =	vsel vm0, v35, v28;
	(xrf1) =	vsort.dscd.msk.f32 $0xffff, v29, v17;
	v17 =	vperm.xlane v25, v2  }
0x84: {  	[tilespmem:s26+$0xFFFFFF20] =	vst v6;
	v14 =	vld [tilespmem:s28+$0x30];
	v25 =	vperm.xlane v34, v2;
	(xrf1) =	vsort.dscd.msk.f32 $0xffff, v21, v28;
	v28 =	vperm.xlane v23, v2  }
0x85: {  	[tilespmem:s26+$0xFFFFFF30] =	vst v6;
	v10 =	vsel vm0, v10, v11;
	(xrf1) =	vsort.dscd.msk.f32 $0xffff, v58, v1  }
0x86: {  	[tilespmem:s26+$0x80] =	vst v6;
	v29 =	vld [tilespmem:s28+$0x80];
	v16 =	vsel vm0, v16, v17;
	(xrf1) =	vsort.dscd.msk.f32 $0xffff, v26, v0;
	v17 =	vsel vm0, v24, v25  }
0x87: {  	[tilespmem:s26+$0x90] =	vst v6;
	v31 =	vperm.xlane v42, v2;
	(xrf1) =	vsort.dscd.msk.f32 $0xffff, v16, v17;
	v16 =	vperm.xlane v27, v2  }
0x88: {  	v9 =	vsel vm0, v9, v12;
	[tilespmem:s26+$0xA0] =	vst v6;
	v41 =	vperm.xlane v41, v2;
	v20 =	vperm.xlane v20, v2;
	v61, _, _ =	vpop (xrf2)  }
0x89: {  	[tilespmem:s26+$0xB0] =	vst v6;
	s19 =	simm.s32 $0x10700;
	v62 =	vld [tilespmem:s28+$0x10];
	v23 =	vsel vm0, v54, v31;
	v26 =	vsel vm0, v45, v28;
	(xrf1) =	vsort.dscd.msk.f32 $0xffff, v14, v4;
	v27, v28, _ =	vpop (xrf1)  }
0x8a: {  	v57 =	vld [tilespmem:s28+$0xFFFFFF20];
	[tilespmem:s19+$0xFFFFFF00] =	vst v6;
	v31 =	vand.u32 $0x7F, v13;
	v24 =	vperm.xlane v56, v2;
	v25 =	vpop (erf);
	v49 =	vperm.xlane v27, v5  }
0x8b: {  	v14 =	vand.u32 $0xFFFFFF80, v13;
	v48 =	vsel vm0, v59, v16;
	v13 =	vnsel vm0, $0x0, v25;
	(xrf1) =	vsort.dscd.msk.f32 $0xffff, v29, v0;
	v16, v17, _ =	vpop (xrf1)  }
0x8c: {  	s29 =	simm.s32 $0x100;
	v29 =	vbroadcast v61, $0xF;
	v25 =	vand.u32 $0xFFFFFF80, v28;
	(xrf1) =	vsort.dscd.msk.f32 $0xffff, v9, v10;
	v27 =	vsub.f32 v27, v49;
	v50, v35, _ =	vpop (xrf1)  }
0x8d: {  	s16 =	simm.s32 $0x200;
	v36 =	vld [tilespmem:s28+$0xFFFFFFB0];
	v10 =	vsel vm0, v60, v20;
	v20 =	vperm.xlane v30, v5;
	(xrf2) =	vadd.scan.msk.f32 $0xffff, v13;
	v25 =	vadd.s32 s29, v25;
	v37, v40, _ =	vpop (xrf1)  }
0x8e: {  	v12 =	vld [tilespmem:s28+$0xFFFFFF90];
	(erf) = vrcp.f32 v29;
	v29 =	vadd.s32 s16, v14;
	(xrf1) =	vsort.dscd.msk.f32 $0xffff, v10, v48;
	v54, v53, _ =	vpop (xrf1);
	v27 =	vmul.f32 $1.442695020e+00, v27  }
0x8f: {  	v51 =	vld [tilespmem:s28+$0xB0];
	[tilespmem:s19+$0xFFFFFF10] =	vst v6;
	v24 =	vsel vm0, v46, v24;
	v20 =	vsub.f32 v30, v20;
	v43, v44, _ =	vpop (xrf1);
	(xrf1) =	vsort.dscd.msk.f32 $0xffff, v62, v1  }
0x90: {  	v52 =	vld [tilespmem:s28+$0xFFFFFFA0];
	[tilespmem:s19+$0xFFFFFF20] =	vst v6;
	v11 =	vpop (erf);
	v9 =	vand.u32 $0x7F, v28;
	(xrf1) =	vsort.dscd.msk.f32 $0xffff, v26, v24;
	v24 =	vperm.xlane v54, v5  }
0x91: {  	[tilespmem:s19+$0xFFFFFF30] =	vst v6;
	v21 =	vsel vm0, v55, v41;
	v55 =	vld [tilespmem:s28+$0xFFFFFF80];
	v10 =	vor.u32 v9, v25;
	v25, v28, _ =	vpop (xrf1);
	(erf) = vpow2.f32 v27  }
0x92: {  	[tilespmem:s19+$0xFFFFFF90] =	vst v6;
	v14 =	vnsel vm0, $0x0, v11;
	v11 =	vld [tilespmem:s28+$0x0];
	v9 =	vor.u32 v31, v29;
	v27, v29, _ =	vpop (xrf1);
	v24 =	vsub.f32 v54, v24  }
0x93: {  	[tilespmem:s19+$0xFFFFFFA0] =	vst v6;
	(xrf2) =	vadd.scan.msk.f32 $0xffff, v14;
	v26 =	vmul.f32 $1.442695020e+00, v20;
	v20, v56, _ =	vpop (xrf1)  }
0x94: {  	[tilespmem:s19+$0xFFFFFFB0] =	vst v6;
	v30 =	vperm.xlane v50, v5;
	(xrf1) =	vsort.dscd.msk.f32 $0xffff, v51, v4;
	v59, v58, _ =	vpop (xrf1);
	v24 =	vmul.f32 $1.442695020e+00, v24  }
0x95: {  	s30 =	simm.s32 $0x380;
	v22 =	vperm.xlane v22, v2;
	[tilespmem:s19+$0xFFFFFF80] =	vst v6;
	v31 =	vand.u32 $0xFFFFFF80, v35;
	(xrf1) =	vsort.dscd.msk.f32 $0xffff, v12, v1;
	v47, v60, _ =	vpop (xrf1)  }
0x96: {  	v31 =	vadd.s32 s30, v31;
	v61 =	vand.u32 $0x7F, v53;
	v12 =	vsub.f32 v50, v30;
	(xrf1) =	vsort.dscd.msk.f32 $0xffff, v52, v3;
	v33, v49, _ =	vpop (xrf1)  }
0x97: {  	s31 =	simm.s32 $0x280;
	v62 =	vld [tilespmem:s28+$0xA0];
	v30 =	vand.u32 $0xFFFFFF80, v53;
	v20 =	vperm.xlane v20, v2;
	v53 =	vperm.xlane v56, v2;
	(xrf1) =	vsort.dscd.msk.f32 $0xffff, v11, v0;
	v48, v50, _ =	vpop (xrf1)  }
0x98: {  	v52 =	vld [tilespmem:s28+$0x90];
	v11 =	vadd.s32 s31, v30;
	v30 =	vand.u32 $0x7F, v35;
	(erf) = vpow2.f32 v24;
	(xrf1) =	vsort.dscd.msk.f32 $0xffff, v36, v4;
	v24 =	vpop (erf)  }
0x99: {  	[tilespmem:s19+$0x80] =	vst v6;
	v20 =	vsel vm0, v27, v20;
	(xrf1) =	vsort.dscd.msk.f32 $0xffff, v55, v0;
	v18 =	vmul.f32 v24, v18;
	v24, _, _ =	vpop (xrf2)  }
0x9a: {  	v39 =	vperm.xlane v43, v2;
	[tilespmem:s19+$0x90] =	vst v6;
	v54 =	vsel vm0, v29, v53;
	(xrf1) =	vsort.dscd.msk.f32 $0xffff, v57, v3;
	v55 =	vpop (erf)  }
0x9b: {  	v41 =	vperm.xlane v59, v2;
	v27 =	vmul.f32 $1.442695020e+00, v12;
	v12 =	vor.u32 v30, v31;
	v30, v29, _ =	vpop (xrf1);
	(xrf1) =	vsort.dscd.msk.f32 $0xffff, v20, v54  }
0x9c: {  	v11 =	vor.u32 v61, v11;
	v20, v31, _ =	vpop (xrf1);
	[tilespmem:v15+s10+$0x0] =	vst.idx.msk $0xff, v18;
	(xrf1) =	vsort.dscd.msk.f32 $0xffff, v62, v3  }
0x9d: {  	[tilespmem:s19+$0xA0] =	vst v6;
	v56, _, _ =	vpop (xrf2);
	v18 =	vperm.xlane v58, v2;
	v31 =	vperm.xlane v31, v2;
	(xrf1) =	vsort.dscd.msk.f32 $0xffff, v52, v1  }
0x9e: {  	[tilespmem:s19+$0xB0] =	vst v6;
	v41 =	vsel vm0, v47, v41;
	v34 =	vbroadcast v24, $0xF;
	v20 =	vperm.xlane v20, v2;
	v51, v57, _ =	vpop (xrf1)  }
0x9f: {  	v24 =	vld [tilespmem:s28+$0x20];
	[tilespmem:s19+$0x0] =	vst v6;
	v36 =	vbroadcast v56, $0xF;
	v62 =	vperm.xlane v57, v2;
	v35 =	vsel vm0, v60, v18;
	v59, v58, _ =	vpop (xrf1)  }
0xa0: {  	[tilespmem:s19+$0x10] =	vst v6;
	v18 =	vperm.xlane v50, v2;
	v20 =	vsel vm0, v37, v20;
	v61 =	vsel vm0, v40, v31;
	v60, v45, _ =	vpop (xrf1)  }
0xa1: {  	v15 =	vnsel vm0, $0x0, v55;
	v40 =	vperm.xlane v44, v2;
	v32 =	vperm.xlane v59, v2;
	(xrf1) =	vsort.dscd.msk.f32 $0xffff, v20, v61;
	v31 =	vpop (erf)  }
0xa2: {  	s20 =	simm.s32 $0x10;
	[tilespmem:s19+$0x20] =	vst v6;
	(xrf2) =	vadd.scan.msk.f32 $0xffff, v15;
	v20 =	vperm.xlane v48, v2;
	v38 =	vperm.xlane v58, v2;
	v37, v42, _ =	vpop (xrf1)  }
0xa3: {  	s21 =	simm.s32 $0x900;
	s17 =	simm.s32 $0xC;
	s18 =	simm.s32 $0x8;
	[tilespmem:s19+$0x30] =	vst v6;
	v48 =	vperm.xlane v51, v2;
	v47 =	vsel vm0, v49, v62;
	v43 =	vperm.xlane v60, v2;
	v46, v44, _ =	vpop (xrf1)  }
.LBB2_2:
0xa4: {  	v49 =	vld [tilespmem:s21+$0xFFFFFF30];
	p0 =	slt.u32 s20, $0xFC;
	v50, v51, _ =	vpop (xrf1);
	v45 =	vperm.xlane v45, v2;
	v31 =	vnsel vm0, $0x0, v31;
	(erf) = vpow2.f32 v26;
	s22 =	smov.u32 s20;
	s20 =	sadd.s32 $0x4, s20  }
0xa5: {  	v26 =	vld [tilespmem:s21+$0x80];
	v52, v53, _ =	vpop (xrf1);
	(xrf1) =	vsort.dscd.msk.f32 $0xffff, v24, v3;
	v24 =	vsel vm0, v33, v48;
	(erf) = vrcp.f32 v34  }
0xa6: {  	v33 =	vld [tilespmem:s21+$0xFFFFFF00];
	v48 =	vsel vm0, v52, v32;
	v38 =	vsel vm0, v53, v38;
	v32, v34, _ =	vpop (xrf1);
	v28 =	vsel vm0, v28, v45;
	(xrf2) =	vadd.scan.msk.f32 $0xffff, v31  }
0xa7: {  	v45 =	vld [tilespmem:s21+$0xFFFFFF10];
	v52 =	vperm.xlane v32, v2;
	v53 =	vperm.xlane v34, v2;
	v34, v54, _ =	vpop (xrf1);
	(xrf1) =	vsort.dscd.msk.f32 $0xffff, v24, v47  }
0xa8: {  	v46 =	vperm.xlane v46, v2;
	v24 =	vsel vm0, v25, v43;
	v32 =	vld [tilespmem:s21+$0xA0];
	v47, v55, _ =	vpop (xrf1);
	(xrf1) =	vsort.dscd.msk.f32 $0xffff, v21, v23;
	(erf) = vpow2.f32 v27  }
0xa9: {  	v21 =	vperm.xlane v44, v2;
	v25 =	vld [tilespmem:s21+$0x10];
	v43 =	vsel vm0, v50, v52;
	v23, v27, _ =	vpop (xrf1);
	(xrf1) =	vsort.dscd.msk.f32 $0xffff, v24, v28;
	(erf) = vrcp.f32 v36  }
0xaa: {  	v52 =	vsel vm0, v34, v46;
	v36 =	vperm.xlane v42, v2;
	v24 =	vld [tilespmem:s21+$0x20];
	v42, v44, _ =	vpop (xrf1);
	v46 =	vand.u32 $0xFFFFFF80, v27  }
0xab: {  	s23 =	sshll.u32 s18, $0x7;
	s18 =	smov.u32 s17;
	s17 =	smov.u32 s22;
	v39 =	vsel vm0, v47, v39;
	v21 =	vsel vm0, v54, v21;
	v27 =	vand.u32 $0x7F, v27;
	v50 =	vld [tilespmem:s21+$0x30];
	(xrf1) =	vsort.dscd.msk.f32 $0xffff, v49, v4;
	v47, v49, _ =	vpop (xrf1)  }
0xac: {  	v40 =	vsel vm0, v55, v40;
	v51 =	vsel vm0, v51, v53;
	v34 =	vld [tilespmem:s21+$0xFFFFFFB0];
	(xrf1) =	vsort.dscd.msk.f32 $0xffff, v52, v21;
	v21 =	vadd.s32 s23, v46;
	v28, _, _ =	vpop (xrf2)  }
0xad: {  	v36 =	vsel vm0, v44, v36;
	v47 =	vperm.xlane v47, v2;
	v46 =	vld [tilespmem:s21+$0xFFFFFF90];
	(xrf1) =	vsort.dscd.msk.f32 $0xffff, v41, v35;
	v35 =	vpop (erf);
	v28 =	vbroadcast v28, $0xF  }
0xae: {  	v19 =	vsel vm0, v17, v19;
	v49 =	vperm.xlane v49, v2;
	v41 =	vld [tilespmem:s21+$0xFFFFFFA0];
	(xrf1) =	vsort.dscd.msk.f32 $0xffff, v39, v40;
	v35 =	vnsel vm0, $0x0, v35;
	v17 =	vpop (erf)  }
0xaf: {  	v37 =	vperm.xlane v37, v2;
	v30 =	vsel vm0, v30, v47;
	v39 =	vld [tilespmem:s21+$0xB0];
	(xrf1) =	vsort.dscd.msk.f32 $0xffff, v45, v1;
	v40, v45, _ =	vpop (xrf1);
	(erf) = vrcp.f32 v28  }
0xb0: {  	s22 =	sadd.s32 $0x100, s16;
	s16 =	smov.u32 s23;
	v28 =	vsel vm0, v29, v49;
	v47 =	vld [tilespmem:s21+$0xFFFFFF80];
	(xrf1) =	vsort.dscd.msk.f32 $0xffff, v33, v0;
	v49 =	vand.u32 $0xFFFFFF80, v45;
	v33 =	vand.u32 $0x7F, v45;
	v44, _, _ =	vpop (xrf2)  }
0xb1: {  	v37 =	vsel vm0, v42, v37;
	v13 =	vmul.f32 v17, v13;
	(xrf1) =	vsort.dscd.msk.f32 $0xffff, v30, v28;
	v28 =	vadd.s32 s22, v49;
	v29 =	vpop (erf)  }
0xb2: {  	v22 =	vsel vm0, v16, v22;
	v42 =	vperm.xlane v40, v5;
	v30 =	vbroadcast v44, $0xF;
	(xrf1) =	vsort.dscd.msk.f32 $0xffff, v50, v4;
	v44 =	vpop (erf)  }
0xb3: {  	s19 =	sadd.s32 $0x200, s19;
	v49 =	vperm.xlane v23, v5;
	v33 =	vor.u32 v33, v28;
	v29 =	vnsel vm0, $0x0, v29;
	v45 =	vld [tilespmem:s21+$0x0];
	v16, v17, _ =	vpop (xrf1);
	[tilespmem:v7+s10+$0x0] =	vst.idx.msk $0xff, v13  }
0xb4: {  	v52 =	vor.u32 v27, v21;
	v7 =	vsub.f32 v40, v42;
	v53 =	vmul.f32 v44, v14;
	[tilespmem:s19+$0xFFFFFF90] =	vst v6;
	v50 =	vld [tilespmem:s21+$0x90]  }
0xb5: {  	v27, v40, _ =	vpop (xrf1)  }
0xb6: {  	v28 =	vperm.xlane v27, v5  }
0xb7: {  	v21 =	vmov v48;
	v49 =	vsub.f32 v23, v49;
	v23 =	vmov v38;
	[tilespmem:s19+$0xFFFFFFA0] =	vst v6  }
0xb8: {  	s22 =	sadd.s32 $0x180, s16;
	(xrf1) =	vsort.dscd.msk.f32 $0xffff, v26, v0;
	v38 =	vand.u32 $0xFFFFFF80, v40;
	v42, v44, _ =	vpop (xrf1);
	[tilespmem:v8+s10+$0x0] =	vst.idx.msk $0xff, v53  }
0xb9: {  	v7 =	vmul.f32 $1.442695020e+00, v7;
	v26 =	vmul.f32 $1.442695020e+00, v49;
	v8 =	vadd.s32 s22, v38;
	v13, v14, _ =	vpop (xrf1);
	(xrf1) =	vsort.dscd.msk.f32 $0xffff, v22, v19  }
0xba: {  	v19 =	vld [tilespmem:s21+$0xFFFFFF20];
	v22 =	vperm.xlane v13, v5;
	v27 =	vsub.f32 v27, v28;
	(xrf2) =	vadd.scan.msk.f32 $0xffff, v35;
	(erf) = vrcp.f32 v30;
	v28 =	vpop (erf)  }
0xbb: {  	v30 =	vand.u32 $0xFFFFFF80, v14;
	v14 =	vand.u32 $0x7F, v14;
	v38, v48, _ =	vpop (xrf1);
	(xrf1) =	vsort.dscd.msk.f32 $0xffff, v37, v36;
	v37 =	vmul.f32 v28, v15  }
0xbc: {  	s22 =	sadd.s32 $0x80, s16;
	v22 =	vsub.f32 v13, v22;
	v27 =	vmul.f32 $1.442695020e+00, v27;
	(xrf1) =	vsort.dscd.msk.f32 $0xffff, v25, v1;
	v25, v28, _ =	vpop (xrf1);
	(erf) = vpow2.f32 v7  }
0xbd: {  	v13 =	vadd.s32 s22, v30;
	v30 =	vand.u32 $0x7F, v40;
	v7, v36, _ =	vpop (xrf1);
	(xrf1) =	vsort.dscd.msk.f32 $0xffff, v43, v51;
	[tilespmem:v10+s10+$0x0] =	vst.idx.msk $0xff, v37  }
0xbe: {  	v40 =	vor.u32 v30, v8;
	v37 =	vor.u32 v14, v13;
	[tilespmem:s19+$0xFFFFFFB0] =	vst v6;
	v10, v15, _ =	vpop (xrf1);
	(xrf2) =	vadd.scan.msk.f32 $0xffff, v29  }
0xbf: {  	[tilespmem:s19+$0xFFFFFF00] =	vst v6;
	v43, v8, _ =	vpop (xrf1);
	(xrf1) =	vsort.dscd.msk.f32 $0xffff, v39, v4;
	v30 =	vperm.xlane v10, v2;
	v15 =	vperm.xlane v15, v2  }
0xc0: {  	v13 =	vmov v35;
	v10 =	vmov v33;
	[tilespmem:s19+$0xFFFFFF80] =	vst v6;
	v49, v39, _ =	vpop (xrf1);
	(xrf1) =	vsort.dscd.msk.f32 $0xffff, v46, v1  }
0xc1: {  	v22 =	vmul.f32 $1.442695020e+00, v22;
	(xrf1) =	vsort.dscd.msk.f32 $0xffff, v41, v3;
	v35 =	vsel vm0, v7, v30;
	v15 =	vsel vm0, v36, v15;
	v33, v51, _ =	vpop (xrf1)  }
0xc2: {  	v14 =	vmov v29;
	v7 =	vmov v9;
	[tilespmem:s19+$0xFFFFFF10] =	vst v6;
	(xrf1) =	vsort.dscd.msk.f32 $0xffff, v45, v0;
	v46, v41, _ =	vpop (xrf1)  }
0xc3: {  	v36 =	vperm.xlane v8, v2;
	[tilespmem:s19+$0xFFFFFF20] =	vst v6;
	(xrf1) =	vsort.dscd.msk.f32 $0xffff, v34, v4;
	(erf) = vpow2.f32 v22;
	v8 =	vpop (erf)  }
0xc4: {  	v9 =	vmov v52;
	[tilespmem:s19+$0xFFFFFF30] =	vst v6;
	(xrf1) =	vsort.dscd.msk.f32 $0xffff, v47, v0;
	v45 =	vmul.f32 v8, v31;
	v8, _, _ =	vpop (xrf2)  }
0xc5: {  	[tilespmem:s19+$0x80] =	vst v6;
	(xrf1) =	vsort.dscd.msk.f32 $0xffff, v19, v3;
	v34 =	vbroadcast v8, $0xF;
	v19 =	vpop (erf);
	v8 =	vmov v12  }
0xc6: {  	v30, v29, _ =	vpop (xrf1);
	(xrf1) =	vsort.dscd.msk.f32 $0xffff, v35, v15;
	[tilespmem:v11+s10+$0x0] =	vst.idx.msk $0xff, v45;
	v15 =	vnsel vm0, $0x0, v19;
	v11 =	vmov v37  }
0xc7: {  	v12 =	vmov v40;
	v19 =	vmov v18;
	[tilespmem:s19+$0x90] =	vst v6;
	(xrf1) =	vsort.dscd.msk.f32 $0xffff, v32, v3;
	v22, v31, _ =	vpop (xrf1)  }
0xc8: {  	[tilespmem:s19+$0xA0] =	vst v6;
	(xrf1) =	vsort.dscd.msk.f32 $0xffff, v50, v1;
	v32 =	vperm.xlane v22, v2;
	v31 =	vperm.xlane v31, v2;
	v18, _, _ =	vpop (xrf2)  }
0xc9: {  	v35 =	vsel vm0, v39, v36;
	v22 =	vmov v20;
	[tilespmem:s19+$0xB0] =	vst v6;
	v47, v37, _ =	vpop (xrf1);
	v36 =	vbroadcast v18, $0xF  }
.Ltmp0:
0xca: {  	v20 =	vperm.xlane v43, v2;
	v18 =	vperm.xlane v41, v2;
	[tilespmem:s19+$0x0] =	vst v6;
	v40, v50, _ =	vpop (xrf1);
	v41 =	vsel vm0, v42, v32;
	(pc) =	sbr.rel @p0 .LBB2_2-.Ltmp0, $4  }
0xcb: {  	v39 =	vperm.xlane v38, v2;
	v43 =	vsel vm0, v44, v31;
	v32 =	vperm.xlane v40, v2;
	[tilespmem:s19+$0x10] =	vst v6;
	v38, v45, _ =	vpop (xrf1)  }
0xcc: {  	v52 =	vperm.xlane v37, v2;
	v40 =	vperm.xlane v48, v2;
	[tilespmem:s19+$0x20] =	vst v6;
	v31 =	vpop (erf);
	(xrf1) =	vsort.dscd.msk.f32 $0xffff, v41, v43  }
0xcd: {  	v41 =	vsel vm0, v49, v20;
	v20 =	vperm.xlane v46, v2;
	v43 =	vperm.xlane v38, v2;
	v37, v42, _ =	vpop (xrf1);
	(xrf2) =	vadd.scan.msk.f32 $0xffff, v15  }
0xce: {  	s21 =	sadd.s32 $0x200, s21;
	v48 =	vperm.xlane v47, v2;
	v38 =	vperm.xlane v50, v2;
	v47 =	vsel vm0, v51, v52;
	[tilespmem:s19+$0x30] =	vst v6;
	v46, v44, _ =	vpop (xrf1)  }
0xcf: {  	v49, v50, _ =	vpop (xrf1)  }
0xd0: {  	v45 =	vperm.xlane v45, v2;
	v51, v52, _ =	vpop (xrf1)  }
0xd1: {  	v25 =	vsel vm0, v25, v43;
	v53, v54, _ =	vpop (xrf1);
	(xrf1) =	vsort.dscd.msk.f32 $0xffff, v24, v3;
	v24 =	vsel vm0, v33, v48  }
0xd2: {  	v33, v48, _ =	vpop (xrf1);
	(xrf1) =	vsort.dscd.msk.f32 $0xffff, v24, v47;
	v24 =	vsel vm0, v28, v45  }
0xd3: {  	v60 =	vperm.xlane v46, v2;
	v44 =	vperm.xlane v44, v2;
	v28, v59, _ =	vpop (xrf1);
	(xrf1) =	vsort.dscd.msk.f32 $0xffff, v21, v23  }
0xd4: {  	(erf) = vpow2.f32 v26;
	v17 =	vsel vm0, v17, v19;
	v21 =	vnsel vm0, $0x0, v31;
	v46, v23, _ =	vpop (xrf1);
	(xrf1) =	vsort.dscd.msk.f32 $0xffff, v25, v24  }
0xd5: {  	v16 =	vsel vm0, v16, v22;
	v26 =	vsel vm0, v33, v60;
	v31 =	vsel vm0, v48, v44;
	(xrf2) =	vadd.scan.msk.f32 $0xffff, v21;
	v24, v25, _ =	vpop (xrf1)  }
0xd6: {  	v28 =	vsel vm0, v28, v39;
	v48 =	vsel vm0, v59, v40;
	(xrf1) =	vsort.dscd.msk.f32 $0xffff, v26, v31;
	v61, v62, _ =	vpop (xrf1)  }
0xd7: {  	(xrf1) =	vsort.dscd.msk.f32 $0xffff, v41, v35;
	v26 =	vperm.xlane v61, v2;
	v31 =	vperm.xlane v62, v2  }
0xd8: {  	v19 =	vperm.xlane v42, v2;
	v22 =	vperm.xlane v37, v2;
	(xrf1) =	vsort.dscd.msk.f32 $0xffff, v28, v48  }
0xd9: {  	v26 =	vsel vm0, v30, v26;
	v28 =	vsel vm0, v29, v31  }
0xda: {  	v19 =	vsel vm0, v25, v19;
	v22 =	vsel vm0, v24, v22;
	(xrf1) =	vsort.dscd.msk.f32 $0xffff, v26, v28  }
0xdb: {  	(xrf1) =	vsort.dscd.msk.f32 $0xffff, v16, v17;
	v16 =	vperm.xlane v53, v2;
	v17 =	vperm.xlane v54, v2  }
0xdc: {  	(xrf1) =	vsort.dscd.msk.f32 $0xffff, v22, v19  }
0xdd: {  	v26, _, _ =	vpop (xrf2);
	v16 =	vsel vm0, v49, v16;
	v17 =	vsel vm0, v50, v17  }
0xde: {  	v22, v19, _ =	vpop (xrf1)  }
0xdf: {  	(xrf1) =	vsort.dscd.msk.f32 $0xffff, v16, v17;
	v29, v30, _ =	vpop (xrf1)  }
0xe0: {  	v25 =	vperm.xlane v22, v5;
	v26 =	vbroadcast v26, $0xF;
	v17, _, _ =	vpop (xrf2)  }
0xe1: {  	(erf) = vrcp.f32 v34;
	v31, v16, _ =	vpop (xrf1)  }
0xe2: {  	(erf) = vpow2.f32 v27;
	v25 =	vsub.f32 v22, v25;
	v17 =	vbroadcast v17, $0xF;
	v28, v53, _ =	vpop (xrf1)  }
0xe3: {  	(erf) = vrcp.f32 v36;
	v27, v22, _ =	vpop (xrf1)  }
0xe4: {  	(erf) = vrcp.f32 v26;
	v25 =	vmul.f32 $1.442695020e+00, v25;
	v26, v54, _ =	vpop (xrf1)  }
0xe5: {  	v55 =	vperm.xlane v27, v5;
	v57, v56, _ =	vpop (xrf1)  }
0xe6: {  	(erf) = vrcp.f32 v17;
	v17, v58, _ =	vpop (xrf1)  }
0xe7: {  	v24 =	vpop (erf);
	v35 =	vsub.f32 v27, v55;
	v17 =	vperm.xlane v17, v2;
	v39 =	vperm.xlane v58, v2  }
0xe8: {  	(erf) = vpow2.f32 v25;
	v25, v59, _ =	vpop (xrf1)  }
0xe9: {  	v35 =	vmul.f32 $1.442695020e+00, v35;
	v60, v61, _ =	vpop (xrf1);
	v36 =	vsel vm0, v57, v17;
	v37 =	vsel vm0, v56, v39  }
0xea: {  	v17 =	vnsel vm0, $0x0, v24;
	v41 =	vperm.xlane v60, v2;
	v45 =	vperm.xlane v61, v2;
	v24, v47, _ =	vpop (xrf1)  }
0xeb: {  	v27 =	vpop (erf);
	(erf) = vpow2.f32 v35;
	(xrf1) =	vsort.dscd.msk.f32 $0xffff, v36, v37;
	v35 =	vperm.xlane v47, v2  }
0xec: {  	v62 =	vpop (erf);
	(xrf2) =	vadd.scan.msk.f32 $0xffff, v17;
	v48 =	vperm.xlane v24, v2;
	v28 =	vsel vm0, v28, v41;
	v33 =	vsel vm0, v53, v45  }
0xed: {  	v32 =	vsel vm0, v51, v32;
	v24 =	vnsel vm0, $0x0, v62;
	v36, v37, _ =	vpop (xrf1);
	(xrf1) =	vsort.dscd.msk.f32 $0xffff, v28, v33;
	v49 =	vsel vm0, v59, v35  }
0xee: {  	(xrf2) =	vadd.scan.msk.f32 $0xffff, v24;
	v25 =	vsel vm0, v25, v48;
	v28 =	vperm.xlane v36, v2;
	v50 =	vperm.xlane v37, v2  }
0xef: {  	v52 =	vsel vm0, v52, v38;
	(xrf1) =	vsort.dscd.msk.f32 $0xffff, v25, v49  }
0xf0: {  	(xrf1) =	vsort.dscd.msk.f32 $0xffff, v32, v52;
	v25 =	vsel vm0, v54, v50;
	v26 =	vsel vm0, v26, v28  }
0xf1: {  	v32 =	vpop (erf);
	(xrf1) =	vsort.dscd.msk.f32 $0xffff, v26, v25  }
0xf2: {  	v33 =	vpop (erf)  }
0xf3: {  	v28 =	vpop (erf)  }
0xf4: {  	v18 =	vsel vm0, v30, v18;
	v20 =	vsel vm0, v29, v20;
	v25 =	vpop (erf)  }
0xf5: {  	(xrf1) =	vsort.dscd.msk.f32 $0xffff, v20, v18;
	v26 =	vnsel vm0, $0x0, v25;
	v25 =	vpop (erf)  }
0xf6: {  	v18 =	vperm.xlane v46, v5;
	(xrf2) =	vadd.scan.msk.f32 $0xffff, v26;
	v25 =	vnsel vm0, $0x0, v25  }
0xf7: {  	(xrf2) =	vadd.scan.msk.f32 $0xffff, v25  }
0xf8: {  	v20 =	vperm.xlane v31, v5;
	v18 =	vsub.f32 v46, v18  }
0xf9: {  	v29, _, _ =	vpop (xrf2)  }
0xfa: {  	v20 =	vsub.f32 v31, v20;
	v30, _, _ =	vpop (xrf2)  }
0xfb: {  	v31, v34, _ =	vpop (xrf1)  }
0xfc: {  	v29 =	vbroadcast v29, $0xF;
	v54 =	vmul.f32 $1.442695020e+00, v18;
	v53, v36, _ =	vpop (xrf1)  }
0xfd: {  	v56, v18, _ =	vpop (xrf1)  }
0xfe: {  	v55 =	vmul.f32 $1.442695020e+00, v20;
	(erf) = vpow2.f32 v54;
	v58, v57, _ =	vpop (xrf1)  }
0xff: {  	v30 =	vbroadcast v30, $0xF;
	(erf) = vrcp.f32 v29;
	v60, v20, _ =	vpop (xrf1)  }
0x100: {  	(erf) = vpow2.f32 v55;
	v29, _, _ =	vpop (xrf2);
	v61 =	vperm.xlane v60, v5  }
0x101: {  	v59 =	vperm.xlane v53, v5;
	v29 =	vbroadcast v29, $0xF;
	v62, _, _ =	vpop (xrf2)  }
0x102: {  	(erf) = vrcp.f32 v30;
	v30 =	vbroadcast v62, $0xF;
	v43 =	vsub.f32 v60, v61  }
0x103: {  	v35 =	vsub.f32 v53, v59;
	(erf) = vrcp.f32 v29  }
0x104: {  	(erf) = vrcp.f32 v30;
	v30 =	vmul.f32 $1.442695020e+00, v43  }
0x105: {  	v29 =	vmul.f32 $1.442695020e+00, v35;
	_ =	sdelay $0x2  }
0x106: {  	(erf) = vpow2.f32 v29  }
0x107: {  	(erf) = vpow2.f32 v30;
	v29, v30, _ =	vpop (xrf1)  }
0x108: {  	v29 =	vperm.xlane v29, v2  }
0x109: {  	v30 =	vperm.xlane v30, v2  }
0x10a: {  	v44 =	vpop (erf);
	v29 =	vsel vm0, v58, v29  }
0x10b: {  	v37 =	vpop (erf);
	v30 =	vsel vm0, v57, v30  }
0x10c: {  	v45 =	vpop (erf);
	(xrf1) =	vsort.dscd.msk.f32 $0xffff, v29, v30  }
0x10d: {  	v29 =	vpop (erf)  }
0x10e: {  	v30 =	vnsel vm0, $0x0, v44;
	v35 =	vpop (erf)  }
0x10f: {  	(xrf2) =	vadd.scan.msk.f32 $0xffff, v30;
	v40 =	vpop (erf)  }
0x110: {  	v38 =	vnsel vm0, $0x0, v45;
	v46 =	vpop (erf)  }
0x111: {  	(xrf2) =	vadd.scan.msk.f32 $0xffff, v38;
	v41 =	vnsel vm0, $0x0, v46;
	v47 =	vpop (erf)  }
0x112: {  	(xrf2) =	vadd.scan.msk.f32 $0xffff, v41;
	v42 =	vnsel vm0, $0x0, v47  }
0x113: {  	(xrf2) =	vadd.scan.msk.f32 $0xffff, v42;
	_ =	sdelay $0x1  }
0x114: {  	v48 =	vperm.xlane v31, v5  }
0x115: {  	v49 =	vperm.xlane v56, v5  }
0x116: {  	v31 =	vsub.f32 v31, v48  }
0x117: {  	v39 =	vsub.f32 v56, v49  }
0x118: {  	v31 =	vmul.f32 $1.442695020e+00, v31;
	v50, _, _ =	vpop (xrf2)  }
0x119: {  	v39 =	vmul.f32 $1.442695020e+00, v39;
	v43 =	vbroadcast v50, $0xF;
	v51, v45, _ =	vpop (xrf1)  }
0x11a: {  	(erf) = vpow2.f32 v31;
	v52, _, _ =	vpop (xrf2);
	v31 =	vperm.xlane v51, v5  }
0x11b: {  	v46 =	vbroadcast v52, $0xF;
	(erf) = vrcp.f32 v43;
	v53, _, _ =	vpop (xrf2)  }
0x11c: {  	(erf) = vpow2.f32 v39;
	v31 =	vsub.f32 v51, v31;
	v54 =	vbroadcast v53, $0xF;
	v55, _, _ =	vpop (xrf2)  }
0x11d: {  	(erf) = vrcp.f32 v46;
	v43 =	vbroadcast v55, $0xF  }
0x11e: {  	v31 =	vmul.f32 $1.442695020e+00, v31;
	(erf) = vrcp.f32 v54  }
0x11f: {  	(erf) = vrcp.f32 v43  }
0x120: {  	(erf) = vpow2.f32 v31;
	_ =	sdelay $0x2  }
0x121: {  	v31 =	vpop (erf)  }
0x122: {  	v39 =	vpop (erf)  }
0x123: {  	v56 =	vpop (erf)  }
0x124: {  	v57 =	vpop (erf)  }
0x125: {  	v58 =	vpop (erf)  }
0x126: {  	v31 =	vnsel vm0, $0x0, v31;
	v59 =	vpop (erf)  }
0x127: {  	(xrf2) =	vadd.scan.msk.f32 $0xffff, v31;
	v43 =	vnsel vm0, $0x0, v56;
	v60 =	vpop (erf)  }
0x128: {  	(xrf2) =	vadd.scan.msk.f32 $0xffff, v43;
	v48 =	vnsel vm0, $0x0, v60  }
0x129: {  	s18 =	sshll.u32 s18, $0x7;
	(xrf2) =	vadd.scan.msk.f32 $0xffff, v48  }
0x12a: {  	s31 =	sadd.s32 $0x180, s18;
	v13 =	vmul.f32 v27, v13;
	v27 =	vand.u32 $0xFFFFFF80, v16  }
0x12b: {  	v16 =	vand.u32 $0x7F, v16;
	v27 =	vadd.s32 s31, v27  }
0x12c: {  	v16 =	vor.u32 v16, v27;
	v14 =	vmul.f32 v32, v14  }
0x12d: {  	s21 =	sadd.s32 $0x100, s18;
	[tilespmem:v7+s10+$0x0] =	vst.idx.msk $0xff, v13;
	v15 =	vmul.f32 v33, v15;
	v21 =	vmul.f32 v28, v21;
	v7 =	vand.u32 $0xFFFFFF80, v36  }
0x12e: {  	s20 =	sshll.u32 s17, $0x7;
	[tilespmem:v8+s10+$0x0] =	vst.idx.msk $0xff, v14;
	v27 =	vand.u32 $0xFFFFFF80, v34;
	v8 =	vand.u32 $0x7F, v36;
	v7 =	vadd.s32 s21, v7  }
0x12f: {  	v27 =	vadd.s32 s20, v27;
	v14 =	vand.u32 $0x7F, v18;
	v7 =	vor.u32 v8, v7  }
0x130: {  	v62 =	vand.u32 $0xFFFFFF80, v19;
	v19 =	vand.u32 $0x7F, v19;
	v61 =	vand.u32 $0xFFFFFF80, v23  }
0x131: {  	s19 =	sadd.s32 $0x80, s18;
	v23 =	vand.u32 $0x7F, v23;
	v49 =	vadd.s32 s18, v61;
	v51 =	vand.u32 $0xFFFFFF80, v22;
	v52, _, _ =	vpop (xrf2)  }
0x132: {  	v22 =	vand.u32 $0x7F, v22;
	v32 =	vadd.s32 s19, v51;
	v28 =	vbroadcast v52, $0xF;
	v53, _, _ =	vpop (xrf2)  }
0x133: {  	[tilespmem:v10+s10+$0x0] =	vst.idx.msk $0xff, v15;
	v10 =	vmul.f32 v37, v17;
	v22 =	vor.u32 v22, v32;
	v32 =	vbroadcast v53, $0xF;
	v55, _, _ =	vpop (xrf2)  }
0x134: {  	s16 =	sadd.s32 $0x100, s16;
	v23 =	vor.u32 v23, v49;
	(erf) = vrcp.f32 v28;
	v13 =	vbroadcast v55, $0xF  }
0x135: {  	[tilespmem:v11+s10+$0x0] =	vst.idx.msk $0xff, v21;
	v11 =	vmul.f32 v29, v24;
	v50 =	vadd.s32 s16, v62;
	(erf) = vrcp.f32 v32  }
0x136: {  	s23 =	sadd.s32 $0x80, s20;
	[tilespmem:v9+s10+$0x0] =	vst.idx.msk $0xff, v10;
	v10 =	vand.u32 $0xFFFFFF80, v20;
	v19 =	vor.u32 v19, v50;
	(erf) = vrcp.f32 v13  }
0x137: {  	v10 =	vadd.s32 s23, v10;
	[tilespmem:v12+s10+$0x0] =	vst.idx.msk $0xff, v11;
	v11 =	vand.u32 $0x7F, v20;
	v12 =	vmul.f32 v40, v25  }
0x138: {  	s22 =	sadd.s32 $0x180, s20;
	v10 =	vor.u32 v11, v10;
	v11 =	vmul.f32 v39, v30;
	v13 =	vand.u32 $0xFFFFFF80, v18  }
0x139: {  	v54 =	vand.u32 $0x7F, v34;
	[tilespmem:v22+s10+$0x0] =	vst.idx.msk $0xff, v12;
	v9 =	vadd.s32 s22, v13;
	v13 =	vmul.f32 v35, v26  }
0x13a: {  	[tilespmem:v23+s10+$0x0] =	vst.idx.msk $0xff, v11;
	v11 =	vmul.f32 v58, v41;
	v9 =	vor.u32 v14, v9;
	v14 =	vand.u32 $0x7F, v45  }
0x13b: {  	s16 =	sadd.s32 $0x100, s20;
	v8 =	vor.u32 v54, v27;
	v12 =	vand.u32 $0xFFFFFF80, v45;
	[tilespmem:v19+s10+$0x0] =	vst.idx.msk $0xff, v13;
	v13 =	vmul.f32 v57, v38  }
0x13c: {  	v12 =	vadd.s32 s16, v12  }
0x13d: {  	v12 =	vor.u32 v14, v12;
	[tilespmem:v16+s10+$0x0] =	vst.idx.msk $0xff, v13;
	v13 =	vmul.f32 v59, v42;
	v14 =	vpop (erf)  }
0x13e: {  	[tilespmem:v7+s10+$0x0] =	vst.idx.msk $0xff, v11;
	v7 =	vmul.f32 v14, v31;
	v11 =	vpop (erf)  }
0x13f: {  	[tilespmem:v10+s10+$0x0] =	vst.idx.msk $0xff, v13;
	v10 =	vmul.f32 v11, v43;
	v11 =	vpop (erf)  }
0x140: {  	[tilespmem:v8+s10+$0x0] =	vst.idx.msk $0xff, v7;
	v7 =	vmul.f32 v11, v48  }
0x141: {  	[tilespmem:v9+s10+$0x0] =	vst.idx.msk $0xff, v10  }
0x142: {  	s24 =	simm.s32 $0x0;
	[tilespmem:v12+s10+$0x0] =	vst.idx.msk $0xff, v7  }
0x143: {  	[hbm4b:s5+s24] =	stream.linear.scatter [tilespmem:s10], [sflag:$0x3], $0x8000, $0x38;
	v63 =	vld [tilespmem:$0x0]  }
0x144: {  	_ =	swait.ge [sflag:s11], $0x8000  }
0x145: {  	[sflag:s11] =	ssyncset.done $0x0  }
0x146: {  	s18 =	simm.s32 $0x0;
	[sflag:s11] =	ssyncadd.s32 $0xFFFF8000  }
0x147: {  	v7 =	vld [tilespmem:s18+$0x8010]  }
0x148: {  	v8 =	vld [tilespmem:s18+$0x8030]  }
0x149: {  	v9 =	vld [tilespmem:s18+$0x81B0]  }
0x14a: {  	v10 =	vld [tilespmem:s18+$0x8110]  }
0x14b: {  	v11 =	vld [tilespmem:s18+$0x8000]  }
0x14c: {  	v12 =	vld [tilespmem:s18+$0x8120];
	(xrf1) =	vsort.dscd.msk.f32 $0xffff, v7, v1  }
0x14d: {  	v7 =	vld [tilespmem:s18+$0x80B0];
	(xrf1) =	vsort.dscd.msk.f32 $0xffff, v8, v4  }
0x14e: {  	v8 =	vld [tilespmem:s18+$0x8130];
	(xrf1) =	vsort.dscd.msk.f32 $0xffff, v9, v4  }
0x14f: {  	v9 =	vld [tilespmem:s18+$0x81A0];
	(xrf1) =	vsort.dscd.msk.f32 $0xffff, v10, v1  }
0x150: {  	(xrf1) =	vsort.dscd.msk.f32 $0xffff, v11, v0  }
0x151: {  	(xrf1) =	vsort.dscd.msk.f32 $0xffff, v12, v3  }
0x152: {  	(xrf1) =	vsort.dscd.msk.f32 $0xffff, v7, v4  }
0x153: {  	v10 =	vld [tilespmem:s18+$0x80A0];
	(xrf1) =	vsort.dscd.msk.f32 $0xffff, v8, v4  }
0x154: {  	v7 =	vld [tilespmem:s18+$0x8100];
	(xrf1) =	vsort.dscd.msk.f32 $0xffff, v9, v3  }
0x155: {  	v8 =	vld [tilespmem:s18+$0x8020]  }
0x156: {  	v9 =	vld [tilespmem:s18+$0x8190];
	_ =	sdelay $0x1  }
0x157: {  	v11 =	vld [tilespmem:s18+$0x8180];
	(xrf1) =	vsort.dscd.msk.f32 $0xffff, v10, v3  }
0x158: {  	v10 =	vld [tilespmem:s18+$0x8090];
	(xrf1) =	vsort.dscd.msk.f32 $0xffff, v7, v0  }
0x159: {  	(xrf1) =	vsort.dscd.msk.f32 $0xffff, v8, v3;
	v8, v12, _ =	vpop (xrf1)  }
0x15a: {  	v7 =	vld [tilespmem:s18+$0x8080];
	(xrf1) =	vsort.dscd.msk.f32 $0xffff, v9, v1;
	v9, v13, _ =	vpop (xrf1)  }
0x15b: {  	v14, v15, _ =	vpop (xrf1)  }
0x15c: {  	(xrf1) =	vsort.dscd.msk.f32 $0xffff, v11, v0;
	v11, v16, _ =	vpop (xrf1)  }
0x15d: {  	(xrf1) =	vsort.dscd.msk.f32 $0xffff, v10, v1;
	v10, v17, _ =	vpop (xrf1)  }
0x15e: {  	v18, v19, _ =	vpop (xrf1)  }
0x15f: {  	s16 =	simm.s32 $0x200;
	(xrf1) =	vsort.dscd.msk.f32 $0xffff, v7, v0;
	v7 =	vperm.xlane v12, v2;
	v12, v20, _ =	vpop (xrf1)  }
0x160: {  	v21 =	vld [tilespmem:s16+$0x8010];
	v15 =	vperm.xlane v15, v2;
	v22, v23, _ =	vpop (xrf1)  }
0x161: {  	v14 =	vperm.xlane v14, v2;
	v24, v25, _ =	vpop (xrf1)  }
0x162: {  	v20 =	vperm.xlane v20, v2;
	v23 =	vperm.xlane v23, v2;
	v15 =	vsel vm0, v25, v15  }
0x163: {  	v8 =	vperm.xlane v8, v2;
	v22 =	vperm.xlane v22, v2;
	v14 =	vsel vm0, v24, v14  }
0x164: {  	v7 =	vsel vm0, v17, v7;
	(xrf1) =	vsort.dscd.msk.f32 $0xffff, v14, v15;
	v19 =	vsel vm0, v19, v23  }
0x165: {  	v8 =	vsel vm0, v10, v8;
	v14 =	vld [tilespmem:s16+$0x8030];
	v18 =	vsel vm0, v18, v22;
	(xrf1) =	vsort.dscd.msk.f32 $0xffff, v21, v1;
	v15, v24, _ =	vpop (xrf1)  }
0x166: {  	v12 =	vperm.xlane v12, v2;
	v22 =	vld [tilespmem:s16+$0x81B0];
	(xrf1) =	vsort.dscd.msk.f32 $0xffff, v18, v19;
	v10, v17, _ =	vpop (xrf1);
	v18 =	vsel vm0, v24, v20  }
0x167: {  	v13 =	vperm.xlane v13, v2;
	v19, v20, _ =	vpop (xrf1)  }
0x168: {  	v12 =	vsel vm0, v15, v12;
	(xrf1) =	vsort.dscd.msk.f32 $0xffff, v8, v7;
	v7 =	vperm.xlane v9, v2;
	v8, v9, _ =	vpop (xrf1)  }
0x169: {  	v15 =	vld [tilespmem:s16+$0x8110];
	(xrf1) =	vsort.dscd.msk.f32 $0xffff, v12, v18;
	v9 =	vperm.xlane v9, v2  }
0x16a: {  	v12 =	vld [tilespmem:s16+$0x8000];
	(xrf1) =	vsort.dscd.msk.f32 $0xffff, v14, v4;
	v13 =	vsel vm0, v20, v13;
	v8 =	vperm.xlane v8, v2;
	v14, v18, _ =	vpop (xrf1)  }
0x16b: {  	v7 =	vsel vm0, v19, v7;
	(xrf1) =	vsort.dscd.msk.f32 $0xffff, v22, v4;
	v9 =	vsel vm0, v18, v9  }
0x16c: {  	(xrf1) =	vsort.dscd.msk.f32 $0xffff, v7, v13;
	v8 =	vsel vm0, v14, v8;
	v14, v18, _ =	vpop (xrf1)  }
0x16d: {  	v7 =	vperm.xlane v14, v2;
	(xrf1) =	vsort.dscd.msk.f32 $0xffff, v8, v9;
	v8 =	vperm.xlane v18, v2  }
0x16e: {  	(xrf1) =	vsort.dscd.msk.f32 $0xffff, v15, v1;
	v9, v13, _ =	vpop (xrf1)  }
0x16f: {  	(xrf1) =	vsort.dscd.msk.f32 $0xffff, v12, v0;
	v7 =	vsel vm0, v9, v7;
	v8 =	vsel vm0, v13, v8  }
0x170: {  	(xrf1) =	vsort.dscd.msk.f32 $0xffff, v7, v8;
	v7 =	vld [tilespmem:s16+$0x8120]  }
0x171: {  	v8 =	vld [tilespmem:s16+$0x80B0]  }
0x172: {  	v9 =	vld [tilespmem:s16+$0x8130]  }
0x173: {  	v14 =	vld [tilespmem:s16+$0x81A0];
	v12, v13, _ =	vpop (xrf1)  }
0x174: {  	v19 =	vld [tilespmem:s16+$0x80A0];
	v15, v18, _ =	vpop (xrf1)  }
0x175: {  	v22 =	vld [tilespmem:s16+$0x8100];
	v20, v21, _ =	vpop (xrf1);
	(xrf1) =	vsort.dscd.msk.f32 $0xffff, v7, v3  }
0x176: {  	v24 =	vld [tilespmem:s16+$0x8020];
	v7, v23, _ =	vpop (xrf1);
	(xrf1) =	vsort.dscd.msk.f32 $0xffff, v8, v4  }
0x177: {  	v26 =	vld [tilespmem:s16+$0x8190];
	v8, v25, _ =	vpop (xrf1);
	(xrf1) =	vsort.dscd.msk.f32 $0xffff, v9, v4  }
0x178: {  	v28 =	vld [tilespmem:s16+$0x8180];
	v9, v27, _ =	vpop (xrf1);
	(xrf1) =	vsort.dscd.msk.f32 $0xffff, v14, v3  }
0x179: {  	v14, v29, _ =	vpop (xrf1);
	(xrf1) =	vsort.dscd.msk.f32 $0xffff, v19, v3  }
0x17a: {  	v16 =	vperm.xlane v16, v2;
	v19, v30, _ =	vpop (xrf1);
	(xrf1) =	vsort.dscd.msk.f32 $0xffff, v22, v0  }
0x17b: {  	v12 =	vperm.xlane v12, v2;
	v13 =	vperm.xlane v13, v2;
	v22, v31, _ =	vpop (xrf1);
	(xrf1) =	vsort.dscd.msk.f32 $0xffff, v24, v3  }
0x17c: {  	v8 =	vperm.xlane v8, v2;
	v25 =	vperm.xlane v25, v2;
	v24, v57, _ =	vpop (xrf1);
	(xrf1) =	vsort.dscd.msk.f32 $0xffff, v26, v1  }
0x17d: {  	v56 =	vld [tilespmem:s16+$0x8090];
	v12 =	vsel vm0, v22, v12;
	v13 =	vsel vm0, v31, v13;
	v26, v58, _ =	vpop (xrf1);
	(xrf1) =	vsort.dscd.msk.f32 $0xffff, v28, v0  }
0x17e: {  	v11 =	vperm.xlane v11, v2;
	v22, v28, _ =	vpop (xrf1);
	(xrf1) =	vsort.dscd.msk.f32 $0xffff, v12, v13;
	v13 =	vperm.xlane v19, v2  }
0x17f: {  	v19 =	vperm.xlane v30, v2;
	v8 =	vsel vm0, v22, v8;
	v12 =	vsel vm0, v28, v25  }
0x180: {  	(xrf1) =	vsort.dscd.msk.f32 $0xffff, v8, v12;
	v8 =	vsel vm0, v17, v16  }
0x181: {  	v10 =	vsel vm0, v10, v11;
	v31 =	vld [tilespmem:s16+$0x8080];
	v11 =	vsel vm0, v23, v19;
	v7 =	vsel vm0, v7, v13  }
0x182: {  	(xrf1) =	vsort.dscd.msk.f32 $0xffff, v56, v1  }
0x183: {  	(xrf1) =	vsort.dscd.msk.f32 $0xffff, v10, v8  }
0x184: {  	s17 =	simm.s32 $0x400;
	(xrf1) =	vsort.dscd.msk.f32 $0xffff, v7, v11;
	v7, v8, _ =	vpop (xrf1)  }
0x185: {  	v12 =	vperm.xlane v18, v2;
	v13 =	vld [tilespmem:s17+$0x8010];
	v10, v11, _ =	vpop (xrf1)  }
0x186: {  	v14 =	vperm.xlane v14, v2;
	v18 =	vperm.xlane v29, v2;
	(xrf1) =	vsort.dscd.msk.f32 $0xffff, v31, v0;
	v16, v17, _ =	vpop (xrf1)  }
0x187: {  	v15 =	vperm.xlane v15, v2;
	v12 =	vsel vm0, v58, v12;
	v19, v22, _ =	vpop (xrf1);
	v17 =	vperm.xlane v17, v2  }
0x188: {  	v16 =	vperm.xlane v16, v2;
	v14 =	vsel vm0, v19, v14;
	v18 =	vsel vm0, v22, v18  }
0x189: {  	v11 =	vperm.xlane v11, v2;
	v10 =	vperm.xlane v10, v2;
	v19, v23, _ =	vpop (xrf1);
	(xrf1) =	vsort.dscd.msk.f32 $0xffff, v14, v18;
	v14 =	vld [tilespmem:s17+$0x8030]  }
0x18a: {  	v22, v25, _ =	vpop (xrf1);
	v8 =	vsel vm0, v8, v17;
	v7 =	vsel vm0, v7, v16;
	v16 =	vld [tilespmem:s17+$0x81B0];
	(xrf1) =	vsort.dscd.msk.f32 $0xffff, v13, v1  }
0x18b: {  	v13 =	vsel vm0, v26, v15;
	v18, v28, _ =	vpop (xrf1);
	(xrf1) =	vsort.dscd.msk.f32 $0xffff, v7, v8;
	v7 =	vsel vm0, v23, v11  }
0x18c: {  	v8 =	vsel vm0, v19, v10;
	v15, v17, _ =	vpop (xrf1);
	(xrf1) =	vsort.dscd.msk.f32 $0xffff, v13, v12;
	v12 =	vperm.xlane v27, v2  }
0x18d: {  	v9 =	vperm.xlane v9, v2;
	(xrf1) =	vsort.dscd.msk.f32 $0xffff, v8, v7;
	v17 =	vperm.xlane v17, v2  }
0x18e: {  	v23, v26, _ =	vpop (xrf1);
	v15 =	vperm.xlane v15, v2;
	(xrf1) =	vsort.dscd.msk.f32 $0xffff, v14, v4;
	v12 =	vsel vm0, v28, v12  }
0x18f: {  	v10 =	vld [tilespmem:s17+$0x8110];
	v9 =	vsel vm0, v18, v9;
	v13, v11, _ =	vpop (xrf1);
	(xrf1) =	vsort.dscd.msk.f32 $0xffff, v16, v4;
	v16 =	vsel vm0, v26, v17  }
0x190: {  	v19, v8, _ =	vpop (xrf1);
	v15 =	vsel vm0, v23, v15  }
0x191: {  	v7 =	vld [tilespmem:s17+$0x8000];
	v14, v18, _ =	vpop (xrf1)  }
0x192: {  	(xrf1) =	vsort.dscd.msk.f32 $0xffff, v9, v12;
	v9, v12, _ =	vpop (xrf1)  }
0x193: {  	v14 =	vperm.xlane v14, v2;
	(xrf1) =	vsort.dscd.msk.f32 $0xffff, v15, v16;
	v17 =	vperm.xlane v18, v2;
	v15, v16, _ =	vpop (xrf1)  }
0x194: {  	(xrf1) =	vsort.dscd.msk.f32 $0xffff, v10, v1;
	v10, v18, _ =	vpop (xrf1)  }
0x195: {  	v10 =	vsel vm0, v10, v14;
	v14 =	vsel vm0, v18, v17;
	v18 =	vperm.xlane v21, v2  }
0x196: {  	(xrf1) =	vsort.dscd.msk.f32 $0xffff, v7, v0;
	v17 =	vperm.xlane v20, v2  }
0x197: {  	v23 =	vld [tilespmem:s17+$0x8120];
	(xrf1) =	vsort.dscd.msk.f32 $0xffff, v10, v14  }
0x198: {  	v7 =	vld [tilespmem:s17+$0x80B0];
	v9 =	vsel vm0, v9, v17;
	v10 =	vsel vm0, v12, v18  }
0x199: {  	v26 =	vperm.xlane v15, v5;
	v14 =	vld [tilespmem:s17+$0x8130]  }
0x19a: {  	v20 =	vld [tilespmem:s17+$0x81A0];
	v17, v18, _ =	vpop (xrf1)  }
0x19b: {  	v15 =	vsub.f32 v15, v26;
	(xrf1) =	vsort.dscd.msk.f32 $0xffff, v9, v10;
	v9, v21, _ =	vpop (xrf1)  }
0x19c: {  	(xrf1) =	vsort.dscd.msk.f32 $0xffff, v23, v3;
	v23 =	vld [tilespmem:s17+$0x80A0];
	v12, v10, _ =	vpop (xrf1)  }
0x19d: {  	v15 =	vmul.f32 $1.442695020e+00, v15;
	(xrf1) =	vsort.dscd.msk.f32 $0xffff, v7, v4;
	v7 =	vld [tilespmem:s17+$0x8100];
	v27, v28, _ =	vpop (xrf1)  }
0x19e: {  	v29 =	vperm.xlane v19, v5;
	(xrf1) =	vsort.dscd.msk.f32 $0xffff, v14, v4;
	v14 =	vld [tilespmem:s17+$0x8020];
	v26, v30, _ =	vpop (xrf1)  }
0x19f: {  	(xrf1) =	vsort.dscd.msk.f32 $0xffff, v20, v3;
	v20 =	vld [tilespmem:s17+$0x8190];
	v31, v59, _ =	vpop (xrf1)  }
0x1a0: {  	v19 =	vsub.f32 v19, v29;
	v29 =	vld [tilespmem:s17+$0x8180];
	v18 =	vperm.xlane v18, v2;
	v61, v60, _ =	vpop (xrf1)  }
0x1a1: {  	v17 =	vperm.xlane v17, v2;
	(xrf1) =	vsort.dscd.msk.f32 $0xffff, v23, v3;
	v23, v42, _ =	vpop (xrf1)  }
0x1a2: {  	(erf) = vpow2.f32 v15;
	(xrf1) =	vsort.dscd.msk.f32 $0xffff, v7, v0;
	v7, v15, _ =	vpop (xrf1)  }
0x1a3: {  	v33 =	vperm.xlane v57, v2;
	v62 =	vperm.xlane v13, v5;
	(xrf1) =	vsort.dscd.msk.f32 $0xffff, v14, v3;
	v14, v44, _ =	vpop (xrf1)  }
0x1a4: {  	v30 =	vperm.xlane v30, v2;
	(xrf1) =	vsort.dscd.msk.f32 $0xffff, v20, v1;
	v20 =	vperm.xlane v26, v2;
	v26, v45, _ =	vpop (xrf1)  }
0x1a5: {  	v43 =	vld [tilespmem:s17+$0x8090];
	v7 =	vsel vm0, v7, v17;
	v15 =	vsel vm0, v15, v18;
	(xrf1) =	vsort.dscd.msk.f32 $0xffff, v29, v0;
	v17, v18, _ =	vpop (xrf1)  }
0x1a6: {  	v24 =	vperm.xlane v24, v2;
	v19 =	vmul.f32 $1.442695020e+00, v19;
	(xrf1) =	vsort.dscd.msk.f32 $0xffff, v7, v15;
	v15 =	vsel vm0, v18, v30  }
0x1a7: {  	v25 =	vsel vm0, v25, v33;
	v13 =	vsub.f32 v13, v62  }
0x1a8: {  	(erf) = vpow2.f32 v19;
	v19 =	vld [tilespmem:s17+$0x8080];
	v7 =	vsel vm0, v17, v20;
	v18 =	vperm.xlane v42, v2  }
0x1a9: {  	v17 =	vperm.xlane v23, v2;
	(xrf1) =	vsort.dscd.msk.f32 $0xffff, v7, v15;
	v7 =	vsel vm0, v22, v24;
	v15, v22, _ =	vpop (xrf1)  }
0x1aa: {  	(xrf1) =	vsort.dscd.msk.f32 $0xffff, v43, v1;
	v18 =	vsel vm0, v28, v18;
	v20, v23, _ =	vpop (xrf1)  }
0x1ab: {  	v17 =	vsel vm0, v27, v17;
	(xrf1) =	vsort.dscd.msk.f32 $0xffff, v7, v25;
	v7 =	vmul.f32 $1.442695020e+00, v13;
	v13 =	vperm.xlane v21, v2;
	v21, v24, _ =	vpop (xrf1)  }
0x1ac: {  	s19 =	simm.s32 $0x600;
	v28 =	vperm.xlane v60, v2;
	(xrf1) =	vsort.dscd.msk.f32 $0xffff, v17, v18;
	v25, v27, _ =	vpop (xrf1)  }
0x1ad: {  	v29 =	vld [tilespmem:s19+$0x8010];
	v18 =	vperm.xlane v61, v2;
	(xrf1) =	vsort.dscd.msk.f32 $0xffff, v19, v0;
	v19, v30, _ =	vpop (xrf1)  }
0x1ae: {  	v47 =	vperm.xlane v15, v5;
	v28 =	vsel vm0, v30, v28  }
0x1af: {  	v9 =	vperm.xlane v9, v2;
	v46 =	vpop (erf);
	v27 =	vperm.xlane v27, v2;
	v19 =	vsel vm0, v19, v18  }
0x1b0: {  	v15 =	vsub.f32 v15, v47;
	v25 =	vperm.xlane v25, v2;
	v18 =	vnsel vm0, $0x0, v46;
	(xrf1) =	vsort.dscd.msk.f32 $0xffff, v19, v28  }
0x1b1: {  	v9 =	vsel vm0, v26, v9;
	(xrf2) =	vadd.scan.msk.f32 $0xffff, v18;
	v23 =	vsel vm0, v23, v27  }
0x1b2: {  	v15 =	vmul.f32 $1.442695020e+00, v15;
	v19 =	vperm.xlane v24, v2;
	v20 =	vsel vm0, v20, v25;
	(xrf1) =	vsort.dscd.msk.f32 $0xffff, v29, v1;
	v24, v28, _ =	vpop (xrf1)  }
0x1b3: {  	v13 =	vsel vm0, v45, v13;
	v21 =	vperm.xlane v21, v2;
	(xrf1) =	vsort.dscd.msk.f32 $0xffff, v20, v23;
	v50, v49, _ =	vpop (xrf1)  }
0x1b4: {  	v48 =	vld [tilespmem:s19+$0x8030];
	(erf) = vpow2.f32 v7;
	(xrf1) =	vsort.dscd.msk.f32 $0xffff, v9, v13;
	v9 =	vperm.xlane v59, v2;
	v26, v29, _ =	vpop (xrf1)  }
0x1b5: {  	v25 =	vld [tilespmem:s19+$0x81B0];
	v27 =	vperm.xlane v31, v2;
	v19 =	vsel vm0, v28, v19;
	v21 =	vsel vm0, v24, v21;
	v7, v23, _ =	vpop (xrf1)  }
0x1b6: {  	s20 =	simm.s32 $0x0;
	v17 =	vand.u32 $0xFFFFFF80, v16;
	v16 =	vand.u32 $0x7F, v16;
	v30 =	vpop (erf);
	(xrf1) =	vsort.dscd.msk.f32 $0xffff, v21, v19;
	v19 =	vperm.xlane v7, v2  }
0x1b7: {  	v17 =	vadd.s32 s20, v17;
	(erf) = vpow2.f32 v15;
	v24 =	vsel vm0, v26, v27;
	v13, v15, _ =	vpop (xrf1)  }
0x1b8: {  	v20 =	vor.u32 v16, v17;
	v16 =	vld [tilespmem:s19+$0x8110];
	v21, v7, _ =	vpop (xrf1)  }
0x1b9: {  	v28 =	vld [tilespmem:s19+$0x8000];
	(xrf1) =	vsort.dscd.msk.f32 $0xffff, v48, v4;
	v26 =	vsel vm0, v29, v9;
	v17 =	vperm.xlane v23, v2;
	v27, v9, _ =	vpop (xrf1)  }
0x1ba: {  	(xrf1) =	vsort.dscd.msk.f32 $0xffff, v25, v4;
	v13 =	vsel vm0, v13, v19;
	v19, v29, _ =	vpop (xrf1)  }
0x1bb: {  	(xrf1) =	vsort.dscd.msk.f32 $0xffff, v24, v26;
	v26 =	vperm.xlane v14, v2;
	v17 =	vsel vm0, v15, v17;
	v14, v24, _ =	vpop (xrf1)  }
0x1bc: {  	v12 =	vperm.xlane v12, v2;
	(xrf1) =	vsort.dscd.msk.f32 $0xffff, v13, v17;
	v19 =	vperm.xlane v19, v2;
	v31, v51, _ =	vpop (xrf1)  }
0x1bd: {  	v55, _, _ =	vpop (xrf2);
	(xrf1) =	vsort.dscd.msk.f32 $0xffff, v16, v1;
	v29 =	vperm.xlane v29, v2;
	v53 =	vperm.xlane v31, v5  }
0x1be: {  	v10 =	vperm.xlane v10, v2;
	(xrf1) =	vsort.dscd.msk.f32 $0xffff, v28, v0;
	v28 =	vbroadcast v55, $0xF;
	v16, v54, _ =	vpop (xrf1)  }
0x1bf: {  	v52 =	vld [tilespmem:s19+$0x8120];
	v56 =	vpop (erf);
	v16 =	vsel vm0, v16, v19;
	v29 =	vsel vm0, v54, v29;
	v31 =	vsub.f32 v31, v53  }
0x1c0: {  	v58 =	vpop (erf);
	v12 =	vsel vm0, v14, v12;
	v10 =	vsel vm0, v24, v10;
	(erf) = vrcp.f32 v28;
	v19 =	vld [tilespmem:s19+$0x80B0];
	(xrf1) =	vsort.dscd.msk.f32 $0xffff, v16, v29  }
0x1c1: {  	s26 =	simm.s32 $0x100;
	v57 =	vld [tilespmem:s19+$0x8130];
	v25 =	vand.u32 $0xFFFFFF80, v8;
	v13 =	vand.u32 $0xFFFFFF80, v22;
	(xrf1) =	vsort.dscd.msk.f32 $0xffff, v12, v10;
	v10 =	vperm.xlane v27, v5  }
0x1c2: {  	v17 =	vperm.xlane v21, v5;
	v22 =	vand.u32 $0x7F, v22;
	v13 =	vadd.s32 s26, v13  }
0x1c3: {  	s25 =	simm.s32 $0x80;
	v14 =	vor.u32 v22, v13;
	v13 =	vld [tilespmem:s19+$0x81A0];
	v29, v59, _ =	vpop (xrf1);
	v16 =	vmul.f32 $1.442695020e+00, v31;
	v27 =	vsub.f32 v27, v10  }
0x1c4: {  	v60 =	vld [tilespmem:s19+$0x80A0];
	v15 =	vadd.s32 s25, v25;
	(xrf1) =	vsort.dscd.msk.f32 $0xffff, v52, v3;
	v28, v31, _ =	vpop (xrf1)  }
0x1c5: {  	v25 =	vperm.xlane v44, v2;
	v17 =	vsub.f32 v21, v17;
	(erf) = vpow2.f32 v16;
	v22, v21, _ =	vpop (xrf1);
	(xrf1) =	vsort.dscd.msk.f32 $0xffff, v19, v4  }
0x1c6: {  	s28 =	simm.s32 $0x180;
	v23 =	vand.u32 $0xFFFFFF80, v11;
	v19 =	vnsel vm0, $0x0, v30;
	v40, v41, _ =	vpop (xrf1);
	(xrf1) =	vsort.dscd.msk.f32 $0xffff, v57, v4  }
0x1c7: {  	v61 =	vld [tilespmem:s19+$0x8100];
	v24 =	vadd.s32 s28, v23;
	v23 =	vsel vm0, v49, v25;
	(xrf2) =	vadd.scan.msk.f32 $0xffff, v19;
	v43, v44, _ =	vpop (xrf1)  }
0x1c8: {  	s30 =	simm.s32 $0x200;
	v62 =	vld [tilespmem:s19+$0x8020];
	v25 =	vmul.f32 $1.442695020e+00, v17;
	v17 =	vand.u32 $0xFFFFFF80, v51;
	v45 =	vmul.f32 $1.442695020e+00, v27;
	(xrf1) =	vsort.dscd.msk.f32 $0xffff, v13, v3;
	v30, v27, _ =	vpop (xrf1)  }
0x1c9: {  	s21 =	simm.s32 $0x380;
	v53 =	vadd.s32 s30, v17;
	v52 =	vld [tilespmem:s19+$0x8190];
	v16 =	vand.u32 $0xFFFFFF80, v7;
	(xrf1) =	vsort.dscd.msk.f32 $0xffff, v60, v3;
	v60 =	vperm.xlane v31, v2;
	v31 =	vpop (erf)  }
0x1ca: {  	[tilespmem:s18+$0x18130] =	vst v6;
	v54 =	vld [tilespmem:s19+$0x8180];
	v29 =	vperm.xlane v29, v2;
	v10 =	vadd.s32 s21, v16;
	v16 =	vnsel vm0, $0x0, v56;
	v47, v33, _ =	vpop (xrf1)  }
0x1cb: {  	[tilespmem:s18+$0x18030] =	vst v6;
	v36 =	vperm.xlane v28, v2;
	v57 =	vperm.xlane v59, v2;
	v13 =	vand.u32 $0x7F, v51;
	v55, v56, _ =	vpop (xrf1)  }
0x1cc: {  	v17 =	vnsel vm0, $0x0, v58;
	v13 =	vor.u32 v13, v53;
	(xrf1) =	vsort.dscd.msk.f32 $0xffff, v61, v0;
	v59, v58, _ =	vpop (xrf1);
	v32 =	vperm.xlane v55, v2  }
0x1cd: {  	[tilespmem:s18+$0x18020] =	vst v6;
	v51 =	vperm.xlane v43, v2;
	v18 =	vmul.f32 v31, v18;
	(xrf1) =	vsort.dscd.msk.f32 $0xffff, v62, v3;
	v28, v61, _ =	vpop (xrf1)  }
0x1ce: {  	[tilespmem:s18+$0x18010] =	vst v6;
	v34 =	vperm.xlane v56, v2;
	v29 =	vsel vm0, v59, v29;
	(xrf1) =	vsort.dscd.msk.f32 $0xffff, v52, v1;
	v52 =	vpop (erf)  }
0x1cf: {  	[tilespmem:s18+$0x18000] =	vst v6;
	v31 =	vsel vm0, v58, v57;
	v39, v53, _ =	vpop (xrf1);
	(xrf1) =	vsort.dscd.msk.f32 $0xffff, v54, v0;
	v54 =	vperm.xlane v44, v2  }
0x1d0: {  	v62 =	vld [tilespmem:s19+$0x8090];
	[tilespmem:v20+s12+$0x0] =	vst.idx.msk $0xff, v18;
	(erf) = vpow2.f32 v45;
	v38 =	vsel vm0, v41, v34;
	v41 =	vsel vm0, v40, v32;
	v32, v40, _ =	vpop (xrf1)  }
0x1d1: {  	[tilespmem:s18+$0x181B0] =	vst v6;
	(xrf1) =	vsort.dscd.msk.f32 $0xffff, v29, v31;
	v20 =	vsel vm0, v32, v51;
	v29 =	vsel vm0, v40, v54;
	v55, v56, _ =	vpop (xrf1)  }
0x1d2: {  	s29 =	simm.s32 $0x280;
	[tilespmem:s18+$0x181A0] =	vst v6;
	v12 =	vand.u32 $0xFFFFFF80, v9;
	(xrf1) =	vsort.dscd.msk.f32 $0xffff, v20, v29;
	v20 =	vperm.xlane v55, v5  }
0x1d3: {  	v26 =	vsel vm0, v50, v26;
	v12 =	vadd.s32 s29, v12;
	(xrf2) =	vadd.scan.msk.f32 $0xffff, v16;
	v45 =	vperm.xlane v47, v2;
	v59, _, _ =	vpop (xrf2)  }
0x1d4: {  	[tilespmem:s18+$0x18190] =	vst v6;
	v18 =	vnsel vm0, $0x0, v52;
	v31 =	vperm.xlane v61, v2;
	v32 =	vsel vm0, v53, v60;
	v37, v40, _ =	vpop (xrf1)  }
0x1d5: {  	s31 =	simm.s32 $0x300;
	v57 =	vand.u32 $0xFFFFFF80, v56;
	v58 =	vand.u32 $0x7F, v56;
	v42 =	vbroadcast v59, $0xF;
	(xrf1) =	vsort.dscd.msk.f32 $0xffff, v62, v1;
	v61, v60, _ =	vpop (xrf1)  }
0x1d6: {  	s23 =	simm.s32 $0x2000;
	[tilespmem:s18+$0x18180] =	vst v6;
	v62 =	vadd.s32 s31, v57;
	v29 =	vsub.f32 v55, v20;
	v44 =	vperm.xlane v60, v2;
	v20, v46, _ =	vpop (xrf1)  }
0x1d7: {  	s22 =	simm.s32 $0x10;
	v35 =	vld [tilespmem:s19+$0x8080];
	s20 =	simm.s32 $0xC;
	s21 =	simm.s32 $0x8;
	(xrf2) =	vadd.scan.msk.f32 $0xffff, v17;
	v34 =	vperm.xlane v61, v2;
	v43 =	vperm.xlane v20, v2;
	v48, v47, _ =	vpop (xrf1);
	v20 =	vor.u32 v58, v62  }
.LBB2_4:
0x1d8: {  	s25 =	sshra.s32 s23, $0x2  }
0x1d9: {  	p0 =	slt.u32 s22, $0xFC;
	v33 =	vperm.xlane v33, v2;
	(xrf1) =	vsort.dscd.msk.f32 $0xffff, v26, v23;
	v23 =	vmul.f32 $1.442695020e+00, v29;
	v49 =	vpop (erf);
	[tilespmem:s18+$0x18120] =	vst v6;
	s26 =	smov.u32 s22;
	s22 =	sadd.s32 $0x4, s22  }
0x1da: {  	v30 =	vperm.xlane v30, v2;
	v26 =	vsel vm0, v48, v45;
	v29 =	vld [tilespmem:s25+$0x8020];
	v45, v48, _ =	vpop (xrf1);
	(xrf1) =	vsort.dscd.msk.f32 $0xffff, v41, v38;
	v38 =	vand.u32 $0x7F, v11  }
0x1db: {  	v36 =	vsel vm0, v39, v36;
	v11 =	vld [tilespmem:s25+$0x8080];
	v39, v41, _ =	vpop (xrf1);
	[tilespmem:s18+$0x18110] =	vst v6;
	v24 =	vor.u32 v38, v24;
	(erf) = vrcp.f32 v42  }
0x1dc: {  	v42 =	vsel vm0, v48, v44;
	v44 =	vperm.xlane v46, v2;
	v38 =	vld [tilespmem:s25+$0x8010];
	v46, v48, _ =	vpop (xrf1);
	(xrf1) =	vsort.dscd.msk.f32 $0xffff, v35, v0;
	(erf) = vpow2.f32 v25  }
0x1dd: {  	v25 =	vperm.xlane v28, v2;
	v28 =	vsel vm0, v47, v33;
	v35 =	vld [tilespmem:s25+$0x8120];
	(erf) = vpow2.f32 v23;
	[tilespmem:s18+$0x180B0] =	vst v6;
	v33, _, _ =	vpop (xrf2)  }
0x1de: {  	v23 =	vsel vm0, v41, v31;
	v31 =	vsel vm0, v40, v44;
	v47 =	vld [tilespmem:s25+$0x8000];
	v40, v41, _ =	vpop (xrf1);
	(xrf1) =	vsort.dscd.msk.f32 $0xffff, v26, v28;
	v28 =	vbroadcast v33, $0xF  }
0x1df: {  	v27 =	vperm.xlane v27, v2;
	v26 =	vsel vm0, v39, v25;
	v33 =	vld [tilespmem:s25+$0x8110];
	v25 =	vperm.xlane v41, v2;
	v39, v41, _ =	vpop (xrf1);
	(xrf2) =	vadd.scan.msk.f32 $0xffff, v18  }
0x1e0: {  	v52 =	vsel vm0, v37, v43;
	v30 =	vsel vm0, v46, v30;
	v40 =	vperm.xlane v40, v2;
	v44 =	vld [tilespmem:s25+$0x8030];
	v43, v46, _ =	vpop (xrf1);
	[tilespmem:s18+$0x180A0] =	vst v6  }
0x1e1: {  	v27 =	vsel vm0, v48, v27;
	v50 =	vld [tilespmem:s25+$0x81B0];
	(xrf1) =	vsort.dscd.msk.f32 $0xffff, v38, v1;
	v38 =	vsel vm0, v45, v34;
	v45 =	vand.u32 $0xFFFFFF80, v46;
	v34, _, _ =	vpop (xrf2)  }
0x1e2: {  	s24 =	sshll.u32 s21, $0x7;
	s21 =	smov.u32 s20;
	s20 =	smov.u32 s26;
	v41 =	vsel vm0, v41, v25;
	v25 =	vperm.xlane v43, v5;
	v48 =	vld [tilespmem:s25+$0x8130];
	(xrf1) =	vsort.dscd.msk.f32 $0xffff, v52, v31;
	v37, v51, _ =	vpop (xrf1);
	v31 =	vbroadcast v34, $0xF  }
0x1e3: {  	s26 =	sadd.s32 $0x80, s24;
	v39 =	vsel vm0, v39, v40;
	v52 =	vld [tilespmem:s25+$0x80B0];
	(xrf1) =	vsort.dscd.msk.f32 $0xffff, v36, v32;
	v32, v36, _ =	vpop (xrf1);
	v40 =	vperm.xlane v37, v5;
	v53 =	vand.u32 $0xFFFFFF80, v51  }
0x1e4: {  	v25 =	vsub.f32 v43, v25;
	v34 =	vld [tilespmem:s25+$0x8090];
	(xrf1) =	vsort.dscd.msk.f32 $0xffff, v38, v42;
	v38 =	vadd.s32 s26, v53;
	s26 =	sadd.s32 $0x180, s24;
	v42 =	vpop (erf);
	(erf) = vrcp.f32 v31  }
0x1e5: {  	v31 =	vld [tilespmem:s25+$0x8190];
	(xrf1) =	vsort.dscd.msk.f32 $0xffff, v44, v4;
	v37 =	vsub.f32 v37, v40;
	v40 =	vadd.s32 s26, v45;
	v43 =	vpop (erf);
	(erf) = vrcp.f32 v28  }
0x1e6: {  	v8 =	vand.u32 $0x7F, v8;
	v25 =	vmul.f32 $1.442695020e+00, v25;
	v44 =	vnsel vm0, $0x0, v49;
	v28 =	vld [tilespmem:s25+$0x81A0];
	(xrf1) =	vsort.dscd.msk.f32 $0xffff, v50, v4;
	v45 =	vpop (erf)  }
0x1e7: {  	v22 =	vperm.xlane v22, v2;
	v43 =	vnsel vm0, $0x0, v43;
	v49 =	vld [tilespmem:s25+$0x80A0];
	(xrf1) =	vsort.dscd.msk.f32 $0xffff, v30, v27;
	v37 =	vmul.f32 $1.442695020e+00, v37;
	v27, v30, _ =	vpop (xrf1)  }
0x1e8: {  	v8 =	vor.u32 v8, v15;
	v32 =	vperm.xlane v32, v2;
	(xrf1) =	vsort.dscd.msk.f32 $0xffff, v39, v41;
	v39, v41, _ =	vpop (xrf1)  }
0x1e9: {  	v15 =	vperm.xlane v36, v2;
	v45 =	vnsel vm0, $0x0, v45;
	v36 =	vperm.xlane v39, v5  }
0x1ea: {  	v22 =	vsel vm0, v27, v22;
	v50 =	vld [tilespmem:s25+$0x8180];
	v27, _, _ =	vpop (xrf2);
	[tilespmem:s18+$0x18090] =	vst v6  }
0x1eb: {  	v21 =	vperm.xlane v21, v2;
	v19 =	vmul.f32 v42, v19;
	v55 =	vand.u32 $0xFFFFFF80, v41;
	v53 =	vld [tilespmem:s25+$0x8100];
	(xrf1) =	vsort.dscd.msk.f32 $0xffff, v33, v1;
	v33, v54, _ =	vpop (xrf1)  }
0x1ec: {  	v32 =	vsel vm0, v33, v32;
	v15 =	vsel vm0, v54, v15;
	v33 =	vsub.f32 v39, v36;
	[tilespmem:s18+$0x18080] =	vst v6  }
0x1ed: {  	v21 =	vsel vm0, v30, v21;
	v41 =	vand.u32 $0x7F, v41;
	v27 =	vbroadcast v27, $0xF;
	(xrf1) =	vsort.dscd.msk.f32 $0xffff, v47, v0;
	v36, v39, _ =	vpop (xrf1)  }
0x1ee: {  	v30 =	vadd.s32 s24, v55;
	(xrf1) =	vsort.dscd.msk.f32 $0xffff, v32, v15;
	v15 =	vmul.f32 $1.442695020e+00, v33;
	[tilespmem:v8+s12+$0x0] =	vst.idx.msk $0xff, v19;
	v8 =	vpop (erf)  }
0x1ef: {  	v32 =	vor.u32 v41, v30;
	(xrf1) =	vsort.dscd.msk.f32 $0xffff, v22, v21;
	(erf) = vrcp.f32 v27;
	v19 =	vmul.f32 v8, v17;
	v17 =	vpop (erf)  }
0x1f0: {  	v41, v42, _ =	vpop (xrf1);
	(xrf1) =	vsort.dscd.msk.f32 $0xffff, v35, v3;
	[tilespmem:s18+$0x18100] =	vst v6;
	v16 =	vmul.f32 v17, v16;
	v35 =	vmov v11;
	s18 =	smov.u32 s16;
	s16 =	smov.u32 s17;
	s17 =	smov.u32 s19  }
0x1f1: {  	v11 =	vmov v7;
	v7 =	vmov v46;
	s19 =	smov.u32 s25;
	v22, v21, _ =	vpop (xrf1);
	(erf) = vpow2.f32 v15;
	[tilespmem:v14+s12+$0x0] =	vst.idx.msk $0xff, v19  }
0x1f2: {  	v8 =	vmov v9;
	v9 =	vmov v51;
	(xrf1) =	vsort.dscd.msk.f32 $0xffff, v52, v4;
	v46, v47, _ =	vpop (xrf1);
	[tilespmem:v24+s12+$0x0] =	vst.idx.msk $0xff, v16  }
0x1f3: {  	v15 =	vmov v12;
	v12 =	vmov v38;
	v24 =	vmov v10;
	(xrf1) =	vsort.dscd.msk.f32 $0xffff, v48, v4;
	v48, v51, _ =	vpop (xrf1)  }
0x1f4: {  	v10 =	vmov v40;
	v19 =	vmov v44;
	v30, v27, _ =	vpop (xrf1);
	(xrf1) =	vsort.dscd.msk.f32 $0xffff, v28, v3;
	v16 =	vmov v43  }
0x1f5: {  	v17 =	vmov v45;
	v14 =	vmov v20;
	v43, v33, _ =	vpop (xrf1);
	[tilespmem:s18+$0x181B0] =	vst v6;
	(xrf2) =	vadd.scan.msk.f32 $0xffff, v19  }
0x1f6: {  	v20 =	vperm.xlane v36, v2;
	v40 =	vperm.xlane v39, v2;
	(xrf1) =	vsort.dscd.msk.f32 $0xffff, v49, v3;
	v28, v36, _ =	vpop (xrf1);
	[tilespmem:s18+$0x18030] =	vst v6  }
0x1f7: {  	(xrf1) =	vsort.dscd.msk.f32 $0xffff, v53, v0;
	v39 =	vperm.xlane v28, v2;
	v38 =	vperm.xlane v36, v2;
	v28, v44, _ =	vpop (xrf1);
	[tilespmem:s18+$0x18020] =	vst v6  }
0x1f8: {  	v42 =	vperm.xlane v42, v2;
	(xrf1) =	vsort.dscd.msk.f32 $0xffff, v29, v3;
	v20 =	vsel vm0, v28, v20;
	[tilespmem:s18+$0x18010] =	vst v6;
	v29 =	vpop (erf)  }
0x1f9: {  	v36 =	vperm.xlane v41, v2;
	v28, v45, _ =	vpop (xrf1);
	v38 =	vsel vm0, v47, v38;
	v29 =	vmul.f32 v29, v18;
	[tilespmem:s18+$0x18000] =	vst v6  }
0x1fa: {  	v41 =	vsel vm0, v46, v39;
	v46 =	vperm.xlane v48, v2;
	(xrf1) =	vsort.dscd.msk.f32 $0xffff, v31, v1;
	v18 =	vpop (erf);
	(erf) = vpow2.f32 v37  }
0x1fb: {  	v47 =	vperm.xlane v51, v2;
	v31 =	vsel vm0, v44, v40;
	v39, v37, _ =	vpop (xrf1);
	(xrf1) =	vsort.dscd.msk.f32 $0xffff, v50, v0;
	v18 =	vnsel vm0, $0x0, v18  }
0x1fc: {  	v40, v44, _ =	vpop (xrf1);
	(xrf1) =	vsort.dscd.msk.f32 $0xffff, v20, v31;
	[tilespmem:v13+s12+$0x0] =	vst.idx.msk $0xff, v29;
	v13 =	vmov v32  }
0x1fd: {  	v31 =	vperm.xlane v45, v2;
	v20 =	vsel vm0, v40, v46;
	v29 =	vsel vm0, v44, v47;
	v44, v45, _ =	vpop (xrf1);
	(xrf2) =	vadd.scan.msk.f32 $0xffff, v16  }
.Ltmp1:
0x1fe: {  	v32 =	vsel vm0, v37, v42;
	v37, v40, _ =	vpop (xrf1);
	(xrf1) =	vsort.dscd.msk.f32 $0xffff, v20, v29;
	v48 =	vperm.xlane v44, v5;
	v47 =	vand.u32 $0xFFFFFF80, v45;
	(pc) =	sbr.rel @p0 .LBB2_4-.Ltmp1, $4  }
0x1ff: {  	v49 =	vand.u32 $0x7F, v45;
	(xrf1) =	vsort.dscd.msk.f32 $0xffff, v34, v1;
	[tilespmem:s18+$0x181A0] =	vst v6;
	v34, _, _ =	vpop (xrf2)  }
0x200: {  	s24 =	sadd.s32 $0x100, s24;
	v45 =	vperm.xlane v43, v2;
	v43, v46, _ =	vpop (xrf1);
	v29 =	vsub.f32 v44, v48;
	v42 =	vbroadcast v34, $0xF;
	[tilespmem:s18+$0x18190] =	vst v6  }
0x201: {  	v50 =	vadd.s32 s24, v47;
	v44 =	vperm.xlane v46, v2;
	v20, v46, _ =	vpop (xrf1);
	[tilespmem:s18+$0x18180] =	vst v6;
	(xrf2) =	vadd.scan.msk.f32 $0xffff, v17  }
0x202: {  	s23 =	sadd.s32 $0x800, s23;
	v34 =	vperm.xlane v43, v2;
	v43 =	vperm.xlane v20, v2;
	v48, v47, _ =	vpop (xrf1);
	v20 =	vor.u32 v49, v50;
	[tilespmem:s18+$0x18130] =	vst v6  }
0x203: {  	(xrf1) =	vsort.dscd.msk.f32 $0xffff, v26, v23  }
0x204: {  	(xrf1) =	vsort.dscd.msk.f32 $0xffff, v41, v38  }
0x205: {  	(xrf1) =	vsort.dscd.msk.f32 $0xffff, v35, v0;
	_ =	sdelay $0x3  }
0x206: {  	v58 =	vperm.xlane v33, v2;
	v57, v56, _ =	vpop (xrf1)  }
0x207: {  	v46 =	vperm.xlane v46, v2;
	v38, v41, _ =	vpop (xrf1)  }
0x208: {  	v45 =	vsel vm0, v48, v45;
	v26 =	vsel vm0, v47, v58;
	v59, v49, _ =	vpop (xrf1)  }
0x209: {  	v40 =	vsel vm0, v40, v46;
	v60, v50, _ =	vpop (xrf1)  }
0x20a: {  	v27 =	vperm.xlane v27, v2;
	v61, v62, _ =	vpop (xrf1)  }
0x20b: {  	v30 =	vperm.xlane v30, v2;
	v36 =	vsel vm0, v39, v36;
	(xrf1) =	vsort.dscd.msk.f32 $0xffff, v45, v26;
	v45, v23, _ =	vpop (xrf1)  }
0x20c: {  	(xrf2) =	vadd.scan.msk.f32 $0xffff, v18;
	v52 =	vsel vm0, v37, v43;
	v44 =	vsel vm0, v56, v44;
	v56 =	vsel vm0, v57, v34;
	v37, v26, _ =	vpop (xrf1)  }
0x20d: {  	v30 =	vsel vm0, v59, v30;
	(xrf1) =	vsort.dscd.msk.f32 $0xffff, v52, v40;
	v55 =	vsel vm0, v49, v27;
	v33, v40, _ =	vpop (xrf1)  }
0x20e: {  	(xrf1) =	vsort.dscd.msk.f32 $0xffff, v36, v32;
	v53 =	vperm.xlane v50, v2;
	v54 =	vperm.xlane v60, v2;
	v58, v57, _ =	vpop (xrf1)  }
0x20f: {  	(xrf1) =	vsort.dscd.msk.f32 $0xffff, v56, v44;
	v33 =	vperm.xlane v33, v2;
	v59 =	vperm.xlane v40, v2;
	v35, v27, _ =	vpop (xrf1)  }
0x210: {  	v60 =	vsel vm0, v62, v53;
	v39 =	vsel vm0, v61, v54;
	(xrf1) =	vsort.dscd.msk.f32 $0xffff, v30, v55;
	v62, v61, _ =	vpop (xrf1)  }
0x211: {  	(xrf1) =	vsort.dscd.msk.f32 $0xffff, v39, v60;
	v30 =	vsel vm0, v62, v33;
	v39 =	vsel vm0, v61, v59  }
0x212: {  	(xrf1) =	vsort.dscd.msk.f32 $0xffff, v30, v39;
	_ =	sdelay $0x3  }
0x213: {  	v29 =	vmul.f32 $1.442695020e+00, v29;
	(erf) = vrcp.f32 v42;
	v46 =	vpop (erf)  }
0x214: {  	v22 =	vperm.xlane v22, v2;
	v21 =	vperm.xlane v21, v2;
	v40, _, _ =	vpop (xrf2)  }
0x215: {  	v28 =	vperm.xlane v28, v2;
	v42, _, _ =	vpop (xrf2);
	v44 =	vperm.xlane v35, v5  }
0x216: {  	(erf) = vpow2.f32 v25;
	v25 =	vbroadcast v42, $0xF;
	v47, _, _ =	vpop (xrf2)  }
0x217: {  	(erf) = vpow2.f32 v29;
	v43 =	vbroadcast v40, $0xF;
	v48 =	vsub.f32 v35, v44;
	v30, v35, _ =	vpop (xrf1)  }
0x218: {  	(erf) = vrcp.f32 v25;
	v25 =	vbroadcast v47, $0xF;
	v36, v39, _ =	vpop (xrf1)  }
0x219: {  	(erf) = vrcp.f32 v43;
	v29 =	vmul.f32 $1.442695020e+00, v48;
	v50, v49, _ =	vpop (xrf1)  }
0x21a: {  	v22 =	vsel vm0, v58, v22;
	(erf) = vrcp.f32 v25;
	v53 =	vperm.xlane v30, v2;
	v52, v51, _ =	vpop (xrf1)  }
0x21b: {  	v21 =	vsel vm0, v57, v21;
	v54 =	vperm.xlane v35, v2;
	(erf) = vpow2.f32 v29;
	v56, v55, _ =	vpop (xrf1)  }
0x21c: {  	(xrf1) =	vsort.dscd.msk.f32 $0xffff, v22, v21;
	v29 =	vperm.xlane v52, v2;
	v32 =	vperm.xlane v51, v2;
	v58, v57, _ =	vpop (xrf1)  }
0x21d: {  	v28 =	vsel vm0, v38, v28;
	v21 =	vsel vm0, v58, v53;
	v22 =	vsel vm0, v57, v54;
	v60, v59, _ =	vpop (xrf1)  }
0x21e: {  	(xrf1) =	vsort.dscd.msk.f32 $0xffff, v21, v22;
	v62 =	vsel vm0, v60, v29;
	v38 =	vsel vm0, v59, v32  }
0x21f: {  	v31 =	vsel vm0, v41, v31;
	(xrf1) =	vsort.dscd.msk.f32 $0xffff, v62, v38  }
0x220: {  	v33 =	vnsel vm0, $0x0, v46;
	v30 =	vperm.xlane v56, v2;
	v43 =	vperm.xlane v55, v2;
	(xrf1) =	vsort.dscd.msk.f32 $0xffff, v28, v31  }
0x221: {  	[tilespmem:s18+$0x18120] =	vst v6;
	(xrf2) =	vadd.scan.msk.f32 $0xffff, v33  }
0x222: {  	[tilespmem:s18+$0x18110] =	vst v6;
	v61 =	vpop (erf);
	v46 =	vsel vm0, v49, v43;
	v25 =	vsel vm0, v50, v30  }
0x223: {  	[tilespmem:s18+$0x180B0] =	vst v6;
	v42 =	vpop (erf);
	(xrf1) =	vsort.dscd.msk.f32 $0xffff, v25, v46  }
0x224: {  	[tilespmem:s18+$0x180A0] =	vst v6;
	v44 =	vpop (erf);
	v21 =	vnsel vm0, $0x0, v42;
	v49 =	vperm.xlane v37, v5  }
0x225: {  	[tilespmem:s18+$0x18090] =	vst v6;
	v47 =	vpop (erf);
	v22 =	vnsel vm0, $0x0, v44;
	(xrf2) =	vadd.scan.msk.f32 $0xffff, v21  }
0x226: {  	v8 =	vand.u32 $0x7F, v8;
	[tilespmem:s18+$0x18080] =	vst v6;
	v48 =	vpop (erf);
	(xrf2) =	vadd.scan.msk.f32 $0xffff, v22;
	v28 =	vsub.f32 v37, v49  }
0x227: {  	[tilespmem:s18+$0x18100] =	vst v6;
	v8 =	vor.u32 v8, v15;
	v50 =	vpop (erf)  }
0x228: {  	v11 =	vand.u32 $0x7F, v11;
	[tilespmem:s16+$0x181B0] =	vst v6;
	v52 =	vpop (erf);
	v28 =	vmul.f32 $1.442695020e+00, v28  }
0x229: {  	[tilespmem:s16+$0x18030] =	vst v6;
	v34 =	vperm.xlane v39, v2;
	v51 =	vperm.xlane v45, v5;
	v32 =	vnsel vm0, $0x0, v52  }
0x22a: {  	v24 =	vor.u32 v11, v24;
	v54 =	vmul.f32 v61, v19;
	(xrf2) =	vadd.scan.msk.f32 $0xffff, v32;
	v55, v15, _ =	vpop (xrf1);
	(erf) = vpow2.f32 v28  }
0x22b: {  	[tilespmem:s16+$0x18020] =	vst v6;
	v16 =	vmul.f32 v48, v16;
	v56, _, _ =	vpop (xrf2);
	v57 =	vperm.xlane v55, v5  }
0x22c: {  	v53 =	vsub.f32 v45, v51;
	v58 =	vmul.f32 v47, v17;
	[tilespmem:v8+s12+$0x0] =	vst.idx.msk $0xff, v54;
	v28, v8, _ =	vpop (xrf1)  }
0x22d: {  	[tilespmem:s16+$0x18010] =	vst v6;
	v61 =	vbroadcast v56, $0xF;
	v62 =	vperm.xlane v36, v2;
	v19 =	vsub.f32 v55, v57;
	v29, v11, _ =	vpop (xrf1)  }
0x22e: {  	[tilespmem:s16+$0x18000] =	vst v6;
	v60 =	vmul.f32 v50, v18;
	v31 =	vmul.f32 $1.442695020e+00, v53;
	v37, v36, _ =	vpop (xrf1)  }
0x22f: {  	[tilespmem:v24+s12+$0x0] =	vst.idx.msk $0xff, v16;
	v59, _, _ =	vpop (xrf2);
	v35 =	vmul.f32 $1.442695020e+00, v19;
	v19 =	vsel vm0, v37, v62;
	v24 =	vsel vm0, v36, v34  }
0x230: {  	[tilespmem:s16+$0x181A0] =	vst v6;
	(erf) = vrcp.f32 v61;
	v38, _, _ =	vpop (xrf2);
	v17 =	vbroadcast v59, $0xF;
	(xrf1) =	vsort.dscd.msk.f32 $0xffff, v19, v24  }
0x231: {  	[tilespmem:v14+s12+$0x0] =	vst.idx.msk $0xff, v58;
	(erf) = vpow2.f32 v31;
	v39 =	vbroadcast v38, $0xF;
	v40, v14, _ =	vpop (xrf1)  }
0x232: {  	[tilespmem:s16+$0x18190] =	vst v6;
	(erf) = vpow2.f32 v35;
	v41 =	vperm.xlane v40, v5  }
0x233: {  	[tilespmem:s16+$0x18180] =	vst v6;
	(erf) = vrcp.f32 v39;
	v44 =	vpop (erf)  }
0x234: {  	[tilespmem:v13+s12+$0x0] =	vst.idx.msk $0xff, v60;
	v42, _, _ =	vpop (xrf2);
	(erf) = vrcp.f32 v17;
	v13 =	vnsel vm0, $0x0, v44;
	v45 =	vsub.f32 v40, v41  }
0x235: {  	[tilespmem:s16+$0x18130] =	vst v6;
	v43 =	vbroadcast v42, $0xF;
	(xrf2) =	vadd.scan.msk.f32 $0xffff, v13  }
0x236: {  	[tilespmem:s16+$0x18120] =	vst v6;
	v46 =	vmul.f32 $1.442695020e+00, v45  }
0x237: {  	[tilespmem:s16+$0x18110] =	vst v6;
	(erf) = vrcp.f32 v43  }
0x238: {  	[tilespmem:s16+$0x180B0] =	vst v6;
	(erf) = vpow2.f32 v46  }
0x239: {  	[tilespmem:s16+$0x180A0] =	vst v6;
	v47 =	vpop (erf)  }
0x23a: {  	[tilespmem:s16+$0x18090] =	vst v6;
	v48 =	vpop (erf)  }
0x23b: {  	[tilespmem:s16+$0x18080] =	vst v6;
	v49 =	vperm.xlane v29, v5;
	v50 =	vpop (erf);
	v17 =	vnsel vm0, $0x0, v48  }
0x23c: {  	v7 =	vand.u32 $0x7F, v7;
	[tilespmem:s16+$0x18100] =	vst v6;
	v51 =	vnsel vm0, $0x0, v50;
	v52 =	vpop (erf);
	(xrf2) =	vadd.scan.msk.f32 $0xffff, v17  }
0x23d: {  	v7 =	vor.u32 v7, v10;
	v57 =	vperm.xlane v28, v5;
	v18 =	vsub.f32 v29, v49;
	v53 =	vpop (erf);
	(xrf2) =	vadd.scan.msk.f32 $0xffff, v51  }
0x23e: {  	[tilespmem:s17+$0x181B0] =	vst v6;
	v54 =	vand.u32 $0xFFFFFF80, v27;
	v27 =	vand.u32 $0x7F, v27;
	v55 =	vmul.f32 v47, v33;
	v59, v58, _ =	vpop (xrf1)  }
0x23f: {  	s25 =	sshll.u32 s21, $0x7;
	[tilespmem:s17+$0x18030] =	vst v6;
	v28 =	vsub.f32 v28, v57;
	v18 =	vmul.f32 $1.442695020e+00, v18;
	v62, _, _ =	vpop (xrf2);
	v61 =	vperm.xlane v59, v5  }
0x240: {  	[tilespmem:s17+$0x18020] =	vst v6;
	v25 =	vadd.s32 s25, v54;
	v21 =	vmul.f32 v53, v21;
	v56 =	vpop (erf);
	v19 =	vbroadcast v62, $0xF  }
0x241: {  	[tilespmem:s17+$0x18010] =	vst v6;
	v34 =	vmul.f32 $1.442695020e+00, v28;
	(erf) = vpow2.f32 v18;
	v29 =	vpop (erf);
	v10 =	vsub.f32 v59, v61  }
0x242: {  	[tilespmem:v7+s12+$0x0] =	vst.idx.msk $0xff, v21;
	v7 =	vor.u32 v27, v25;
	(erf) = vrcp.f32 v19;
	v33 =	vnsel vm0, $0x0, v29  }
0x243: {  	[tilespmem:s17+$0x18000] =	vst v6;
	(erf) = vpow2.f32 v34;
	(xrf2) =	vadd.scan.msk.f32 $0xffff, v33;
	v10 =	vmul.f32 $1.442695020e+00, v10  }
0x244: {  	[tilespmem:s17+$0x181A0] =	vst v6  }
0x245: {  	[tilespmem:s17+$0x18190] =	vst v6;
	v16 =	vmul.f32 v56, v32;
	(erf) = vpow2.f32 v10  }
0x246: {  	[tilespmem:s17+$0x18180] =	vst v6;
	v35, _, _ =	vpop (xrf2)  }
0x247: {  	[tilespmem:v7+s12+$0x0] =	vst.idx.msk $0xff, v16;
	v36, _, _ =	vpop (xrf2);
	v7 =	vbroadcast v35, $0xF  }
0x248: {  	[tilespmem:s17+$0x18130] =	vst v6;
	v18 =	vbroadcast v36, $0xF  }
0x249: {  	[tilespmem:s17+$0x18120] =	vst v6  }
0x24a: {  	[tilespmem:s17+$0x18110] =	vst v6;
	v39 =	vpop (erf);
	(erf) = vrcp.f32 v18  }
0x24b: {  	[tilespmem:s17+$0x180B0] =	vst v6;
	(erf) = vrcp.f32 v7;
	v7 =	vpop (erf)  }
0x24c: {  	[tilespmem:s17+$0x180A0] =	vst v6;
	v60 =	vmul.f32 v52, v22;
	v18 =	vnsel vm0, $0x0, v39;
	v42 =	vpop (erf)  }
0x24d: {  	s26 =	sadd.s32 $0x80, s25;
	v38 =	vand.u32 $0xFFFFFF80, v26;
	v43 =	vand.u32 $0x7F, v26;
	v21 =	vnsel vm0, $0x0, v42;
	v41, _, _ =	vpop (xrf2);
	(xrf2) =	vadd.scan.msk.f32 $0xffff, v18  }
0x24e: {  	[tilespmem:v20+s12+$0x0] =	vst.idx.msk $0xff, v60;
	v16 =	vadd.s32 s26, v38;
	v20 =	vbroadcast v41, $0xF;
	(xrf2) =	vadd.scan.msk.f32 $0xffff, v21;
	v44 =	vpop (erf)  }
0x24f: {  	[tilespmem:s17+$0x18090] =	vst v6;
	s28 =	sadd.s32 $0x100, s25;
	v40 =	vand.u32 $0xFFFFFF80, v15;
	v16 =	vor.u32 v43, v16;
	v45 =	vnsel vm0, $0x0, v44  }
0x250: {  	v15 =	vand.u32 $0x7F, v15;
	v19 =	vadd.s32 s28, v40;
	(erf) = vrcp.f32 v20;
	(xrf2) =	vadd.scan.msk.f32 $0xffff, v45  }
0x251: {  	[tilespmem:s17+$0x18080] =	vst v6;
	v15 =	vor.u32 v15, v19  }
0x252: {  	[tilespmem:s17+$0x18100] =	vst v6;
	s21 =	sadd.s32 $0x180, s25;
	v37 =	vand.u32 $0xFFFFFF80, v23;
	v7 =	vmul.f32 v7, v13  }
0x253: {  	[tilespmem:s19+$0x181B0] =	vst v6;
	v46 =	vand.u32 $0x7F, v23;
	v10 =	vadd.s32 s21, v37;
	v47 =	vpop (erf)  }
0x254: {  	v9 =	vand.u32 $0x7F, v9;
	v10 =	vor.u32 v46, v10;
	[tilespmem:v16+s12+$0x0] =	vst.idx.msk $0xff, v7;
	v7 =	vmul.f32 v47, v51  }
0x255: {  	s29 =	sshll.u32 s20, $0x7;
	[tilespmem:s19+$0x18030] =	vst v6;
	v9 =	vor.u32 v9, v12;
	v49 =	vand.u32 $0xFFFFFF80, v14  }
0x256: {  	v13 =	vadd.s32 s29, v49;
	v48 =	vpop (erf);
	[tilespmem:v15+s12+$0x0] =	vst.idx.msk $0xff, v7;
	v7 =	vand.u32 $0x7F, v14  }
0x257: {  	[tilespmem:s19+$0x18020] =	vst v6;
	v12 =	vmul.f32 v48, v17;
	v7 =	vor.u32 v7, v13;
	v50, _, _ =	vpop (xrf2)  }
0x258: {  	[tilespmem:s19+$0x18010] =	vst v6;
	v52, _, _ =	vpop (xrf2)  }
0x259: {  	[tilespmem:v10+s12+$0x0] =	vst.idx.msk $0xff, v12;
	v10 =	vbroadcast v50, $0xF;
	v51 =	vpop (erf)  }
0x25a: {  	[tilespmem:v9+s12+$0x0] =	vst.idx.msk $0xff, v55;
	v9 =	vmul.f32 v51, v33;
	v53, _, _ =	vpop (xrf2)  }
0x25b: {  	[tilespmem:s19+$0x18000] =	vst v6;
	(erf) = vrcp.f32 v10;
	v54 =	vbroadcast v53, $0xF  }
0x25c: {  	[tilespmem:v7+s12+$0x0] =	vst.idx.msk $0xff, v9;
	v7 =	vbroadcast v52, $0xF  }
0x25d: {  	[tilespmem:s19+$0x181A0] =	vst v6;
	(erf) = vrcp.f32 v54  }
0x25e: {  	[tilespmem:s19+$0x18190] =	vst v6;
	(erf) = vrcp.f32 v7  }
0x25f: {  	[tilespmem:s19+$0x18180] =	vst v6  }
0x260: {  	[tilespmem:s19+$0x18130] =	vst v6;
	s30 =	sadd.s32 $0x80, s29;
	v7 =	vand.u32 $0xFFFFFF80, v11  }
0x261: {  	[tilespmem:s19+$0x18120] =	vst v6;
	v55 =	vand.u32 $0x7F, v11;
	v7 =	vadd.s32 s30, v7  }
0x262: {  	[tilespmem:s19+$0x18110] =	vst v6;
	s31 =	sadd.s32 $0x100, s29;
	v56 =	vand.u32 $0xFFFFFF80, v58;
	v7 =	vor.u32 v55, v7  }
0x263: {  	[tilespmem:s19+$0x180B0] =	vst v6;
	s16 =	sadd.s32 $0x180, s29;
	v57 =	vand.u32 $0xFFFFFF80, v8;
	v58 =	vand.u32 $0x7F, v58;
	v10 =	vadd.s32 s31, v56  }
0x264: {  	[tilespmem:s19+$0x180A0] =	vst v6;
	v8 =	vand.u32 $0x7F, v8;
	v10 =	vor.u32 v58, v10;
	v9 =	vadd.s32 s16, v57;
	v59 =	vpop (erf)  }
0x265: {  	[tilespmem:s19+$0x18090] =	vst v6;
	v8 =	vor.u32 v8, v9;
	v60 =	vmul.f32 v59, v18  }
0x266: {  	[tilespmem:s19+$0x18080] =	vst v6;
	v61 =	vpop (erf)  }
0x267: {  	[tilespmem:v7+s12+$0x0] =	vst.idx.msk $0xff, v60;
	v7 =	vmul.f32 v61, v45;
	v62 =	vpop (erf)  }
0x268: {  	[tilespmem:s19+$0x18100] =	vst v6;
	v9 =	vmul.f32 v62, v21  }
0x269: {  	[tilespmem:v10+s12+$0x0] =	vst.idx.msk $0xff, v7  }
0x26a: {  	s15 =	sadd.s32 $0x1, s15;
	[tilespmem:v8+s12+$0x0] =	vst.idx.msk $0xff, v9  }
0x26b: {  	[hbm4b:s6+s1] =	stream.linear.scatter [tilespmem:s12], [sflag:$0x4], $0x8000, $0x38;
	v63 =	vld [tilespmem:$0x0]  }
0x26c: {  	p0 =	sne.s32 s15, s7;
	_ =	swait.ge [sflag:s13], $0x8000  }
.Ltmp2:
0x26d: {  	[sflag:s13] =	ssyncset.done $0x0;
	(pc) =	sbr.rel @p0 .LBB2_1-.Ltmp2, $4  }
0x26e: {  	[sflag:s13] =	ssyncadd.s32 $0xFFFF8000  }
0x26f: {  	_ =	swait.ge [sflag:s14], $0x8000  }
0x270: {  	[sflag:s14] =	ssyncset.done $0x0  }
0x271: {  	[sflag:s14] =	ssyncadd.s32 $0xFFFF8000  }
0x272: {  	_ =	sfence.sel $0x180000  }
0x273: {  	[bflag:$0x0] =	sbarrier.arrive $0xFFFF  }
0x274: {  	p0 =	sne.s32 s2, $0x0;
	_ =	strace $0x90000047  }
0x275: {  	s0 =	sadd.s32 @!p0 $0x100000, s0;
	[bflag:$0x2] =	sbarrier.arrive $0xFFFF  }
0x276: {  	[sflag:s0] =	ssyncadd.tile.s32 @!p0 $0x1;
	_ =	shalt  }
.Lfunc_end2:
_tile_overlayer_lowered:
.L_overlay_start_2:
0x277: {  	(tag) =	ssettag $0x2  }
0x278: {  	s0 =	rddreg [dreg:$0x0];
	s2 =	stileid.u32  }
0x279: {  	s1 =	rddreg [dreg:$0x1];
	p0 =	sne.s32 s2, $0x0  }
0x27a: {  	s3 =	rddreg [dreg:$0x2];
	[bflag:$0x3] =	sbarrier.arrive $0xFFFF;
	s2 =	simm.s32 @!p0 $0x1C05  }
0x27b: {  	[timem:s3], [sflag:s2] =	dma.local @!p0 [hbm:s0], s1  }
0x27c: {  	s0 =	simm.s32 @!p0 $0x5  }
0x27d: {  	_ =	swait.ge @!p0 [sflag:s0], s1  }
0x27e: {  	s1 =	ssub.s32 @!p0 $0x0, s1;
	[sflag:s0] =	ssyncset.done @!p0 $0x0  }
0x27f: {  	[sflag:s0] =	ssyncadd.s32 @!p0 s1  }
0x280: {  	[bflag:$0x3] =	sbarrier.arrive $0xFFFF  }
0x281: {  	_ =	shalt  }

</sc_bundles>
